<compile_context>
chip_gen: v7x
topology: tpu7x:2x2x1
jax: 0.10.2.dev20260603
libtpu: 0.0.44.dev20260713+nightly
codegen_flags: <defaults>
</compile_context>

<pallas_src>
import functools
import jax
import jax.numpy as jnp
from jax import lax
from jax.experimental import pallas as pl
from jax.experimental.pallas import tpu as pltpu
from jax.experimental.pallas import tpu_sc as plsc

_B, _N, _M, _K = 2, 2048, 1024, 5
_TILE = 2048
_T = _N // _TILE
_INF = 3.0e38
_SELF = 1.0e38

_NSUB = 32
_QPW = (_B * _N) // _NSUB
_GRP = _QPW // 16


def _sc_align_body(xh_hbm, x_hbm, out_hbm, qx_v, qy_v, qz_v,
                   cx_v, cy_v, cz_v, cn_v, acc_v, sem):
    c = lax.axis_index("c")
    s = lax.axis_index("s")
    wid = s * 2 + c
    b = wid // (_NSUB // _B)
    chunk = wid % (_NSUB // _B)
    q0 = pl.multiple_of(chunk * _QPW, 8)

    cps = [
        pltpu.async_copy(xh_hbm.at[b * 3 + 0, 0, pl.ds(q0, _QPW)], qx_v, sem),
        pltpu.async_copy(xh_hbm.at[b * 3 + 1, 0, pl.ds(q0, _QPW)], qy_v, sem),
        pltpu.async_copy(xh_hbm.at[b * 3 + 2, 0, pl.ds(q0, _QPW)], qz_v, sem),
        pltpu.async_copy(x_hbm.at[b * 3 + 0, 0], cx_v, sem),
        pltpu.async_copy(x_hbm.at[b * 3 + 1, 0], cy_v, sem),
        pltpu.async_copy(x_hbm.at[b * 3 + 2, 0], cz_v, sem),
    ]
    for cp in cps:
        cp.wait()

    def prep(k, carry):
        sl = pl.ds(k * 16, 16)
        cx = cx_v[sl]
        cy = cy_v[sl]
        cz = cz_v[sl]
        cn_v[sl] = (cx * cx + cy * cy) + cz * cz
        cx_v[sl] = -2.0 * cx
        cy_v[sl] = -2.0 * cy
        cz_v[sl] = -2.0 * cz
        return carry

    lax.fori_loop(0, _M // 16, prep, 0)

    for g in range(_GRP):
        qx = qx_v[pl.ds(g * 16, 16)]
        qy = qy_v[pl.ds(g * 16, 16)]
        qz = qz_v[pl.ds(g * 16, 16)]
        qn = (qx * qx + qy * qy) + qz * qz

        init = tuple(jnp.full((16,), _INF, jnp.float32) for _ in range(_K))

        def body(jj, ts, qx=qx, qy=qy, qz=qz):
            for u in range(2):
                j = jj * 2 + u
                idx = jnp.full((16,), j, jnp.int32)
                gx = plsc.load_gather(cx_v, [idx])
                gy = plsc.load_gather(cy_v, [idx])
                gz = plsc.load_gather(cz_v, [idx])
                gn = plsc.load_gather(cn_v, [idx])
                d = (gn + qx * gx) + (qy * gy + qz * gz)
                new = [jnp.minimum(ts[0], d)]
                for i in range(1, _K):
                    new.append(jnp.minimum(ts[i], jnp.maximum(ts[i - 1], d)))
                ts = tuple(new)
            return ts

        ts = lax.fori_loop(0, _M // 2, body, init)
        tot = ts[0]
        for i in range(1, _K):
            tot = tot + ts[i]
        acc_v[pl.ds(g * 16, 16)] = tot + jnp.float32(_K) * qn

    pltpu.sync_copy(acc_v, out_hbm.at[wid, 0])


def _sc_align(XhT, XT):
    xh3 = XhT.reshape(_B * 3, 1, _N)
    x3 = XT.reshape(_B * 3, 1, _M)
    mesh = plsc.VectorSubcoreMesh(core_axis_name="c", subcore_axis_name="s")
    run = pl.kernel(
        _sc_align_body,
        mesh=mesh,
        compiler_params=pltpu.CompilerParams(needs_layout_passes=False),
        out_type=jax.ShapeDtypeStruct((_NSUB, 1, _QPW), jnp.float32),
        scratch_types=[
            pltpu.VMEM((_QPW,), jnp.float32),
            pltpu.VMEM((_QPW,), jnp.float32),
            pltpu.VMEM((_QPW,), jnp.float32),
            pltpu.VMEM((_M,), jnp.float32),
            pltpu.VMEM((_M,), jnp.float32),
            pltpu.VMEM((_M,), jnp.float32),
            pltpu.VMEM((_M,), jnp.float32),
            pltpu.VMEM((_QPW,), jnp.float32),
            pltpu.SemaphoreType.DMA,
        ],
    )
    return run(xh3, x3)


def _trace3(A, B3):
    P = lax.dot_general(A, B3, (((1,), (0,)), ((), ())))
    eye = (lax.broadcasted_iota(jnp.int32, (3, 3), 0)
           == lax.broadcasted_iota(jnp.int32, (3, 3), 1))
    return jnp.sum(jnp.where(eye, P, 0.0))


def _tc_body(Yr_ref, Ya_ref, Rp_ref, tp_ref, Rg_ref, tg_ref,
             Xhr_ref, Xha_ref, dlr_ref, dla_ref, out_ref):
    t = pl.program_id(1)
    f32 = jnp.float32
    i32 = jnp.int32

    yrow = Yr_ref[0]
    yall = Ya_ref[0]
    Rp = Rp_ref[0]
    tp = tp_ref[0]
    Rg = Rg_ref[0]
    tg = tg_ref[0]
    xh_r = Xhr_ref[0]
    xh_a = Xha_ref[0]
    de_r = dlr_ref[0]
    de_a = dla_ref[0]

    mm = (((1,), (0,)), ((), ()))
    cT = (((0,), (0,)), ((), ()))

    yrig_r = lax.dot_general(Rp, yrow, mm) + tp
    yrig_a = lax.dot_general(Rp, yall, mm) + tp

    nr = jnp.sum(yrig_r * yrig_r, axis=0, keepdims=True)
    na = jnp.sum(yrig_a * yrig_a, axis=0, keepdims=True)
    ones_r = jnp.ones((1, _TILE), f32)
    ones_a = jnp.ones((1, _N), f32)
    U = jnp.concatenate([-2.0 * yrig_r, nr, ones_r], axis=0)
    V = jnp.concatenate([yrig_a, ones_a, na], axis=0)
    d = lax.dot_general(U, V, cT)

    row_id = t * _TILE + lax.broadcasted_iota(i32, (_TILE, _N), 0)
    col_id = lax.broadcasted_iota(i32, (_TILE, _N), 1)
    d = jnp.where(row_id == col_id, _SELF, d)

    m = jnp.min(d, axis=1, keepdims=True)
    for _ in range(_K - 1):
        m = jnp.min(jnp.where(d <= m, _INF, d), axis=1, keepdims=True)
    selmask = jnp.where(d <= m, 1.0, 0.0).astype(f32)

    D_a = xh_a - yrig_a
    D2_a = jnp.sum(D_a * D_a, axis=0, keepdims=True)
    F = jnp.concatenate([D_a, D2_a, de_a], axis=0)
    sel = lax.dot_general(selmask, F, (((1,), (1,)), ((), ())))
    S1 = sel[:, 0:3]
    S2 = sel[:, 3:4]
    Sd = sel[:, 4:7]

    D_r = xh_r - yrig_r
    deform_s = (jnp.sum(S2) - 2.0 * _trace3(D_r, S1)
                + f32(_K) * jnp.sum(D_r * D_r))
    disp_s = jnp.sum(de_r * de_r)
    lap_s = (disp_s - (2.0 / _K) * _trace3(de_r, Sd)
             + (1.0 / (_K * _K)) * jnp.sum(Sd * Sd))

    E = lax.dot_general(Rp - Rg, yrow, mm) + (tp - tg)
    rmse_s = jnp.sum(E * E)

    Rd = lax.dot_general(Rp, Rg, cT)
    eye = (lax.broadcasted_iota(i32, (3, 3), 0)
           == lax.broadcasted_iota(i32, (3, 3), 1))
    tr = jnp.sum(jnp.where(eye, Rd, 0.0))
    dtr = tp - tg
    trans_sq = jnp.sum(dtr * dtr)
    gate = jnp.where(t == 0, f32(1.0), f32(0.0))

    lane = lax.broadcasted_iota(i32, (1, 1, 128), 2)
    vals = (jnp.where(lane == 1, deform_s, 0.0)
            + jnp.where(lane == 2, lap_s, 0.0)
            + jnp.where(lane == 3, disp_s, 0.0)
            + jnp.where(lane == 4, rmse_s, 0.0)
            + jnp.where(lane == 5, gate * tr, 0.0)
            + jnp.where(lane == 6, gate * trans_sq, 0.0))

    @pl.when(t == 0)
    def _init():
        out_ref[...] = jnp.zeros_like(out_ref)

    out_ref[...] += vals


def kernel(Y, X, R_pred, t_pred, R_gt, t_gt, X_hat, delta):
    f32 = jnp.float32
    YT = jnp.swapaxes(Y, 1, 2)
    XT = jnp.swapaxes(X, 1, 2)
    XhT = jnp.swapaxes(X_hat, 1, 2)
    dlT = jnp.swapaxes(delta, 1, 2)
    tp3 = t_pred.reshape(_B, 3, 1).astype(f32)
    tg3 = t_gt.reshape(_B, 3, 1).astype(f32)

    align_parts = _sc_align(XhT, XT)

    rows = lambda b, t: (b, 0, t)
    full = lambda b, t: (b, 0, 0)

    tc_call = pl.pallas_call(
        _tc_body,
        grid=(_B, _T),
        in_specs=[
            pl.BlockSpec((1, 3, _TILE), rows),
            pl.BlockSpec((1, 3, _N), full),
            pl.BlockSpec((1, 3, 3), full),
            pl.BlockSpec((1, 3, 1), full),
            pl.BlockSpec((1, 3, 3), full),
            pl.BlockSpec((1, 3, 1), full),
            pl.BlockSpec((1, 3, _TILE), rows),
            pl.BlockSpec((1, 3, _N), full),
            pl.BlockSpec((1, 3, _TILE), rows),
            pl.BlockSpec((1, 3, _N), full),
        ],
        out_specs=pl.BlockSpec((1, 1, 128), full),
        out_shape=jax.ShapeDtypeStruct((_B, 1, 128), f32),
    )
    out = tc_call(YT, YT, R_pred, tp3, R_gt, tg3, XhT, XhT, dlT, dlT)

    o = out[:, 0, :]
    NK = f32(_N * _K)
    L_align_mean = jnp.sum(align_parts) / f32(_B * _N * _K)
    L_deform = o[:, 1] / NK
    L_lap = o[:, 2] / f32(_N)
    L_disp = o[:, 3] / f32(_N)
    L_rmse = jnp.sqrt(o[:, 4] / f32(_N))
    tr = o[:, 5]
    trans_sq = o[:, 6]
    c = jnp.clip((tr - 1.0) / 2.0, -1.0 + 1e-07, 1.0 - 1e-07)
    L_rot = jnp.arccos(c)
    L_trans = jnp.sqrt(trans_sq)
    total = (L_rot + L_trans + L_rmse
             + 0.01 * L_disp + 0.1 * L_deform + 0.1 * L_lap)
    return total.mean() + L_align_mean

# --- scband reference (transcript-rebuilt; emitter-appended) ---
"""Pipeline reference for scband-rigid-non-rigid-loss-56831007261081 (READ-ONLY COPY).

The authoritative reference and input builder live on the scoring server;
editing this copy changes nothing except your own understanding.
"""

import jax, jax.numpy as jnp
import numpy as np

K_NEIGHBORS = 5

def apply_rigid_transform(Y, R, t):
    return jnp.matmul(Y, jnp.swapaxes(R, 1, 2)) + t[:, None, :]

def compute_alignment_loss(X_hat, X, k=5):
    N = X_hat.shape[1]; M = X.shape[1]
    if N == M:
        return ((X_hat - X) ** 2).sum(axis=2).mean(axis=1)
    dists = ((X_hat[:, :, None, :] - X[:, None, :, :]) ** 2).sum(axis=3)
    k_actual = min(k, M)
    neg_vals, _ = jax.lax.top_k(-dists, k_actual)
    knn_dists = -neg_vals
    return knn_dists.mean(axis=(1, 2))

def build_knn_graph(points, k=5):
    N = points.shape[1]
    dists = ((points[:, :, None, :] - points[:, None, :, :]) ** 2).sum(axis=3)
    k_actual = min(k + 1, N)
    _, idx = jax.lax.top_k(-dists, k_actual)
    return idx[:, :, 1:]

def _gather_neighbors(pts, idx):
    return jax.vmap(lambda p, i: p[i])(pts, idx)

def compute_deformation_loss(Y_rigid, X_hat, k=5):
    idx = build_knn_graph(Y_rigid, k)
    Yn = _gather_neighbors(Y_rigid, idx)
    Xn = _gather_neighbors(X_hat, idx)
    Y_edges = Yn - Y_rigid[:, :, None, :]
    X_edges = Xn - X_hat[:, :, None, :]
    edge_diff = X_edges - Y_edges
    return (edge_diff ** 2).sum(axis=3).mean(axis=(1, 2))

def compute_displacement_loss(delta):
    return (delta ** 2).sum(axis=2).mean(axis=1)

def compute_laplacian_loss(delta, Y_rigid, k=5):
    idx = build_knn_graph(Y_rigid, k)
    dn = _gather_neighbors(delta, idx)
    lap = delta - dn.mean(axis=2)
    return (lap ** 2).sum(axis=2).mean(axis=1)

def compute_rmse_loss(Y, Rp, tp, Rg, tg):
    Yp = jnp.matmul(Y, jnp.swapaxes(Rp, 1, 2)) + tp[:, None, :]
    Yg = jnp.matmul(Y, jnp.swapaxes(Rg, 1, 2)) + tg[:, None, :]
    sq = ((Yp - Yg) ** 2).sum(axis=2)
    return jnp.sqrt(sq.mean(axis=1))

def compute_rotation_loss(Rp, Rg):
    Rd = jnp.matmul(jnp.swapaxes(Rp, 1, 2), Rg)
    tr = Rd[:, 0, 0] + Rd[:, 1, 1] + Rd[:, 2, 2]
    c = jnp.clip((tr - 1.0) / 2.0, -1.0 + 1e-07, 1.0 - 1e-07)
    return jnp.arccos(c)

def compute_translation_loss(tp, tg):
    return jnp.linalg.norm(tp - tg, axis=1)

def setup_inputs(seed: int = 0):
    key = jax.random.key(seed)
    ks = jax.random.split(key, 8)
    B, N, M = 2, 2048, 1024
    return {
        "Y": jax.random.normal(ks[0], (B, N, 3), jnp.float32),
        "X": jax.random.normal(ks[1], (B, M, 3), jnp.float32),
        "R_pred": jax.random.normal(ks[2], (B, 3, 3), jnp.float32),
        "t_pred": jax.random.normal(ks[3], (B, 3), jnp.float32),
        "R_gt": jax.random.normal(ks[4], (B, 3, 3), jnp.float32),
        "t_gt": jax.random.normal(ks[5], (B, 3), jnp.float32),
        "X_hat": jax.random.normal(ks[6], (B, N, 3), jnp.float32),
        "delta": jax.random.normal(ks[7], (B, N, 3), jnp.float32),
    }

def reference(Y, X, R_pred, t_pred, R_gt, t_gt, X_hat, delta):
    k = K_NEIGHBORS
    Y_rigid = apply_rigid_transform(Y, R_pred, t_pred)
    L_rot = compute_rotation_loss(R_pred, R_gt)
    L_trans = compute_translation_loss(t_pred, t_gt)
    L_rmse = compute_rmse_loss(Y, R_pred, t_pred, R_gt, t_gt)
    L_align = compute_alignment_loss(X_hat, X, k)
    L_disp = compute_displacement_loss(delta)
    L_deform = compute_deformation_loss(Y_rigid, X_hat, k)
    L_lap = compute_laplacian_loss(delta, Y_rigid, k)
    total = (1.0 * L_rot + 1.0 * L_trans + 1.0 * L_rmse + 1.0 * L_align
             + 0.01 * L_disp + 0.1 * L_deform + 0.1 * L_lap)
    return total.mean()

if __name__ == "__main__":
    import jax
    _d = setup_inputs()
    print(jax.jit(kernel)(*tuple(_d.values())))

</pallas_src>

<mosaic_0001>
#map = affine_map<(d0, d1) -> (0, 0, 0)>
module attributes {stable_mosaic.version = 14 : i64} {
  func.func @_sc_align_body(%arg0: i32, %arg1: i32, %arg2: memref<6x1x2048xf32, #tpu.memory_space<hbm>>, %arg3: memref<6x1x1024xf32, #tpu.memory_space<hbm>>, %arg4: memref<32x1x128xf32, #tpu.memory_space<hbm>>, %arg5: memref<128xf32, #tpu.memory_space<vmem>>, %arg6: memref<128xf32, #tpu.memory_space<vmem>>, %arg7: memref<128xf32, #tpu.memory_space<vmem>>, %arg8: memref<1024xf32, #tpu.memory_space<vmem>>, %arg9: memref<1024xf32, #tpu.memory_space<vmem>>, %arg10: memref<1024xf32, #tpu.memory_space<vmem>>, %arg11: memref<1024xf32, #tpu.memory_space<vmem>>, %arg12: memref<128xf32, #tpu.memory_space<vmem>>, %arg13: memref<!tpu.dma_semaphore, #tpu.memory_space<semaphore_mem>>) attributes {dimension_semantics = [#tpu.dimension_semantics<core_parallel>, #tpu.dimension_semantics<subcore_parallel>], iteration_bounds = array<i64: 2, 16>, scalar_prefetch = 0 : i64, scratch_operands = 9 : i64, tpu.core_type = #tpu.core_type<sc_vector_subcore>, window_params = [{transform_indices = #map}, {transform_indices = #map}, {transform_indices = #map}]} {
    %mul3A = arith.constant 2 : i32
    %mul3A_0 = arith.muli %arg1, %mul3A : i32
    %add3A = arith.addi %mul3A_0, %arg0 : i32
    %jit3A = arith.constant 16 : i32
    %div3A = arith.divsi %add3A, %jit3A : i32
    %sign3A = arith.constant 0 : i32
    %sign3A_1 = arith.cmpi sgt, %add3A, %sign3A : i32
    %sign3A_2 = arith.extui %sign3A_1 : i1 to i32
    %sign3A_3 = arith.constant 0 : i32
    %sign3A_4 = arith.cmpi slt, %add3A, %sign3A_3 : i32
    %sign3A_5 = arith.extui %sign3A_4 : i1 to i32
    %sign3A_6 = arith.subi %sign3A_2, %sign3A_5 : i32
    %sign3A_7 = arith.constant 0 : i32
    %sign3A_8 = arith.cmpi sgt, %jit3A, %sign3A_7 : i32
    %sign3A_9 = arith.extui %sign3A_8 : i1 to i32
    %sign3A_10 = arith.constant 0 : i32
    %sign3A_11 = arith.cmpi slt, %jit3A, %sign3A_10 : i32
    %sign3A_12 = arith.extui %sign3A_11 : i1 to i32
    %sign3A_13 = arith.subi %sign3A_9, %sign3A_12 : i32
    %ne3A = arith.cmpi ne, %sign3A_6, %sign3A_13 : i32
    %rem3A = arith.remsi %add3A, %jit3A : i32
    %ne3A_14 = arith.constant 0 : i32
    %ne3A_15 = arith.cmpi ne, %rem3A, %ne3A_14 : i32
    %and3A = arith.andi %ne3A, %ne3A_15 : i1
    %sub3A = arith.constant 1 : i32
    %sub3A_16 = arith.subi %div3A, %sub3A : i32
    %select_n3A = arith.select %and3A, %sub3A_16, %div3A : i32
    %jit3A_17 = arith.constant 16 : i32
    %eq3A = arith.constant 0 : i32
    %eq3A_18 = arith.cmpi eq, %jit3A_17, %eq3A : i32
    %jit3A_19 = arith.constant 1 : i32
    %select_n3A_20 = arith.select %eq3A_18, %jit3A_19, %jit3A_17 : i32
    %rem3A_21 = arith.remsi %add3A, %select_n3A_20 : i32
    %ne3A_22 = arith.constant 0 : i32
    %ne3A_23 = arith.cmpi ne, %rem3A_21, %ne3A_22 : i32
    %lt3A = arith.constant 0 : i32
    %lt3A_24 = arith.cmpi slt, %rem3A_21, %lt3A : i32
    %lt3A_25 = arith.constant 0 : i32
    %lt3A_26 = arith.cmpi slt, %select_n3A_20, %lt3A_25 : i32
    %ne3A_27 = arith.xori %lt3A_24, %lt3A_26 : i1
    %and3A_28 = arith.andi %ne3A_27, %ne3A_23 : i1
    %add3A_29 = arith.addi %rem3A_21, %select_n3A_20 : i32
    %select_n3A_30 = arith.select %and3A_28, %add3A_29, %rem3A_21 : i32
    %mul3A_31 = arith.constant 128 : i32
    %mul3A_32 = arith.muli %select_n3A_30, %mul3A_31 : i32
    %multiple_of3A = tpu.assume_multiple %mul3A_32, 8 : i32
    %mul3A_33 = arith.constant 3 : i32
    %mul3A_34 = arith.muli %select_n3A, %mul3A_33 : i32
    %add3A_35 = arith.constant 0 : i32
    %add3A_36 = arith.addi %mul3A_34, %add3A_35 : i32
    %dma_start3A = arith.constant 0 : i32
    %dma_start3A_37 = tpu.memref_slice %arg2[%add3A_36, %dma_start3A, %multiple_of3A] : memref<6x1x2048xf32, #tpu.memory_space<hbm>> -> memref<1x1x128xf32, #tpu.memory_space<hbm>>
    %dma_start3A_38 = tpu.memref_squeeze %dma_start3A_37 : memref<1x1x128xf32, #tpu.memory_space<hbm>> -> memref<128xf32, #tpu.memory_space<hbm>>
    %dma_start3A_39 = tpu.memref_slice %arg2[%add3A_36, %dma_start3A, %multiple_of3A] : memref<6x1x2048xf32, #tpu.memory_space<hbm>> -> memref<1x1x128xf32, #tpu.memory_space<hbm>>
    %dma_start3A_40 = tpu.memref_squeeze %dma_start3A_39 : memref<1x1x128xf32, #tpu.memory_space<hbm>> -> memref<128xf32, #tpu.memory_space<hbm>>
    tpu.enqueue_dma source(%dma_start3A_40 : memref<128xf32, #tpu.memory_space<hbm>>) target(%arg5 : memref<128xf32, #tpu.memory_space<vmem>>) target_semaphore(%arg13 : memref<!tpu.dma_semaphore, #tpu.memory_space<semaphore_mem>>)
    %mul3A_41 = arith.constant 3 : i32
    %mul3A_42 = arith.muli %select_n3A, %mul3A_41 : i32
    %add3A_43 = arith.constant 1 : i32
    %add3A_44 = arith.addi %mul3A_42, %add3A_43 : i32
    %dma_start3A_45 = arith.constant 0 : i32
    %dma_start3A_46 = tpu.memref_slice %arg2[%add3A_44, %dma_start3A_45, %multiple_of3A] : memref<6x1x2048xf32, #tpu.memory_space<hbm>> -> memref<1x1x128xf32, #tpu.memory_space<hbm>>
    %dma_start3A_47 = tpu.memref_squeeze %dma_start3A_46 : memref<1x1x128xf32, #tpu.memory_space<hbm>> -> memref<128xf32, #tpu.memory_space<hbm>>
    %dma_start3A_48 = tpu.memref_slice %arg2[%add3A_44, %dma_start3A_45, %multiple_of3A] : memref<6x1x2048xf32, #tpu.memory_space<hbm>> -> memref<1x1x128xf32, #tpu.memory_space<hbm>>
    %dma_start3A_49 = tpu.memref_squeeze %dma_start3A_48 : memref<1x1x128xf32, #tpu.memory_space<hbm>> -> memref<128xf32, #tpu.memory_space<hbm>>
    tpu.enqueue_dma source(%dma_start3A_49 : memref<128xf32, #tpu.memory_space<hbm>>) target(%arg6 : memref<128xf32, #tpu.memory_space<vmem>>) target_semaphore(%arg13 : memref<!tpu.dma_semaphore, #tpu.memory_space<semaphore_mem>>)
    %mul3A_50 = arith.constant 3 : i32
    %mul3A_51 = arith.muli %select_n3A, %mul3A_50 : i32
    %add3A_52 = arith.constant 2 : i32
    %add3A_53 = arith.addi %mul3A_51, %add3A_52 : i32
    %dma_start3A_54 = arith.constant 0 : i32
    %dma_start3A_55 = tpu.memref_slice %arg2[%add3A_53, %dma_start3A_54, %multiple_of3A] : memref<6x1x2048xf32, #tpu.memory_space<hbm>> -> memref<1x1x128xf32, #tpu.memory_space<hbm>>
    %dma_start3A_56 = tpu.memref_squeeze %dma_start3A_55 : memref<1x1x128xf32, #tpu.memory_space<hbm>> -> memref<128xf32, #tpu.memory_space<hbm>>
    %dma_start3A_57 = tpu.memref_slice %arg2[%add3A_53, %dma_start3A_54, %multiple_of3A] : memref<6x1x2048xf32, #tpu.memory_space<hbm>> -> memref<1x1x128xf32, #tpu.memory_space<hbm>>
    %dma_start3A_58 = tpu.memref_squeeze %dma_start3A_57 : memref<1x1x128xf32, #tpu.memory_space<hbm>> -> memref<128xf32, #tpu.memory_space<hbm>>
    tpu.enqueue_dma source(%dma_start3A_58 : memref<128xf32, #tpu.memory_space<hbm>>) target(%arg7 : memref<128xf32, #tpu.memory_space<vmem>>) target_semaphore(%arg13 : memref<!tpu.dma_semaphore, #tpu.memory_space<semaphore_mem>>)
    %mul3A_59 = arith.constant 3 : i32
    %mul3A_60 = arith.muli %select_n3A, %mul3A_59 : i32
    %add3A_61 = arith.constant 0 : i32
    %add3A_62 = arith.addi %mul3A_60, %add3A_61 : i32
    %dma_start3A_63 = arith.constant 0 : i32
    %dma_start3A_64 = arith.constant 0 : i32
    %dma_start3A_65 = tpu.memref_slice %arg3[%add3A_62, %dma_start3A_63, %dma_start3A_64] : memref<6x1x1024xf32, #tpu.memory_space<hbm>> -> memref<1x1x1024xf32, #tpu.memory_space<hbm>>
    %dma_start3A_66 = tpu.memref_squeeze %dma_start3A_65 : memref<1x1x1024xf32, #tpu.memory_space<hbm>> -> memref<1024xf32, #tpu.memory_space<hbm>>
    %dma_start3A_67 = arith.constant 0 : i32
    %dma_start3A_68 = tpu.memref_slice %arg3[%add3A_62, %dma_start3A_63, %dma_start3A_67] : memref<6x1x1024xf32, #tpu.memory_space<hbm>> -> memref<1x1x1024xf32, #tpu.memory_space<hbm>>
    %dma_start3A_69 = tpu.memref_squeeze %dma_start3A_68 : memref<1x1x1024xf32, #tpu.memory_space<hbm>> -> memref<1024xf32, #tpu.memory_space<hbm>>
    tpu.enqueue_dma source(%dma_start3A_69 : memref<1024xf32, #tpu.memory_space<hbm>>) target(%arg8 : memref<1024xf32, #tpu.memory_space<vmem>>) target_semaphore(%arg13 : memref<!tpu.dma_semaphore, #tpu.memory_space<semaphore_mem>>)
    %mul3A_70 = arith.constant 3 : i32
    %mul3A_71 = arith.muli %select_n3A, %mul3A_70 : i32
    %add3A_72 = arith.constant 1 : i32
    %add3A_73 = arith.addi %mul3A_71, %add3A_72 : i32
    %dma_start3A_74 = arith.constant 0 : i32
    %dma_start3A_75 = arith.constant 0 : i32
    %dma_start3A_76 = tpu.memref_slice %arg3[%add3A_73, %dma_start3A_74, %dma_start3A_75] : memref<6x1x1024xf32, #tpu.memory_space<hbm>> -> memref<1x1x1024xf32, #tpu.memory_space<hbm>>
    %dma_start3A_77 = tpu.memref_squeeze %dma_start3A_76 : memref<1x1x1024xf32, #tpu.memory_space<hbm>> -> memref<1024xf32, #tpu.memory_space<hbm>>
    %dma_start3A_78 = arith.constant 0 : i32
    %dma_start3A_79 = tpu.memref_slice %arg3[%add3A_73, %dma_start3A_74, %dma_start3A_78] : memref<6x1x1024xf32, #tpu.memory_space<hbm>> -> memref<1x1x1024xf32, #tpu.memory_space<hbm>>
    %dma_start3A_80 = tpu.memref_squeeze %dma_start3A_79 : memref<1x1x1024xf32, #tpu.memory_space<hbm>> -> memref<1024xf32, #tpu.memory_space<hbm>>
    tpu.enqueue_dma source(%dma_start3A_80 : memref<1024xf32, #tpu.memory_space<hbm>>) target(%arg9 : memref<1024xf32, #tpu.memory_space<vmem>>) target_semaphore(%arg13 : memref<!tpu.dma_semaphore, #tpu.memory_space<semaphore_mem>>)
    %mul3A_81 = arith.constant 3 : i32
    %mul3A_82 = arith.muli %select_n3A, %mul3A_81 : i32
    %add3A_83 = arith.constant 2 : i32
    %add3A_84 = arith.addi %mul3A_82, %add3A_83 : i32
    %dma_start3A_85 = arith.constant 0 : i32
    %dma_start3A_86 = arith.constant 0 : i32
    %dma_start3A_87 = tpu.memref_slice %arg3[%add3A_84, %dma_start3A_85, %dma_start3A_86] : memref<6x1x1024xf32, #tpu.memory_space<hbm>> -> memref<1x1x1024xf32, #tpu.memory_space<hbm>>
    %dma_start3A_88 = tpu.memref_squeeze %dma_start3A_87 : memref<1x1x1024xf32, #tpu.memory_space<hbm>> -> memref<1024xf32, #tpu.memory_space<hbm>>
    %dma_start3A_89 = arith.constant 0 : i32
    %dma_start3A_90 = tpu.memref_slice %arg3[%add3A_84, %dma_start3A_85, %dma_start3A_89] : memref<6x1x1024xf32, #tpu.memory_space<hbm>> -> memref<1x1x1024xf32, #tpu.memory_space<hbm>>
    %dma_start3A_91 = tpu.memref_squeeze %dma_start3A_90 : memref<1x1x1024xf32, #tpu.memory_space<hbm>> -> memref<1024xf32, #tpu.memory_space<hbm>>
    tpu.enqueue_dma source(%dma_start3A_91 : memref<1024xf32, #tpu.memory_space<hbm>>) target(%arg10 : memref<1024xf32, #tpu.memory_space<vmem>>) target_semaphore(%arg13 : memref<!tpu.dma_semaphore, #tpu.memory_space<semaphore_mem>>)
    %dma_wait3A = arith.constant 0 : i32
    %dma_wait3A_92 = tpu.memref_slice %arg2[%add3A_36, %dma_wait3A, %multiple_of3A] : memref<6x1x2048xf32, #tpu.memory_space<hbm>> -> memref<1x1x128xf32, #tpu.memory_space<hbm>>
    %dma_wait3A_93 = tpu.memref_squeeze %dma_wait3A_92 : memref<1x1x128xf32, #tpu.memory_space<hbm>> -> memref<128xf32, #tpu.memory_space<hbm>>
    %dma_wait3A_94 = tpu.memref_slice %arg2[%add3A_36, %dma_wait3A, %multiple_of3A] : memref<6x1x2048xf32, #tpu.memory_space<hbm>> -> memref<1x1x128xf32, #tpu.memory_space<hbm>>
    %dma_wait3A_95 = tpu.memref_squeeze %dma_wait3A_94 : memref<1x1x128xf32, #tpu.memory_space<hbm>> -> memref<128xf32, #tpu.memory_space<hbm>>
    tpu.wait_dma2 semaphore(%arg13 : memref<!tpu.dma_semaphore, #tpu.memory_space<semaphore_mem>>) src(%dma_wait3A_95 : memref<128xf32, #tpu.memory_space<hbm>>) dst(%arg5 : memref<128xf32, #tpu.memory_space<vmem>>)
    %dma_wait3A_96 = arith.constant 0 : i32
    %dma_wait3A_97 = tpu.memref_slice %arg2[%add3A_44, %dma_wait3A_96, %multiple_of3A] : memref<6x1x2048xf32, #tpu.memory_space<hbm>> -> memref<1x1x128xf32, #tpu.memory_space<hbm>>
    %dma_wait3A_98 = tpu.memref_squeeze %dma_wait3A_97 : memref<1x1x128xf32, #tpu.memory_space<hbm>> -> memref<128xf32, #tpu.memory_space<hbm>>
    %dma_wait3A_99 = tpu.memref_slice %arg2[%add3A_44, %dma_wait3A_96, %multiple_of3A] : memref<6x1x2048xf32, #tpu.memory_space<hbm>> -> memref<1x1x128xf32, #tpu.memory_space<hbm>>
    %dma_wait3A_100 = tpu.memref_squeeze %dma_wait3A_99 : memref<1x1x128xf32, #tpu.memory_space<hbm>> -> memref<128xf32, #tpu.memory_space<hbm>>
    tpu.wait_dma2 semaphore(%arg13 : memref<!tpu.dma_semaphore, #tpu.memory_space<semaphore_mem>>) src(%dma_wait3A_100 : memref<128xf32, #tpu.memory_space<hbm>>) dst(%arg6 : memref<128xf32, #tpu.memory_space<vmem>>)
    %dma_wait3A_101 = arith.constant 0 : i32
    %dma_wait3A_102 = tpu.memref_slice %arg2[%add3A_53, %dma_wait3A_101, %multiple_of3A] : memref<6x1x2048xf32, #tpu.memory_space<hbm>> -> memref<1x1x128xf32, #tpu.memory_space<hbm>>
    %dma_wait3A_103 = tpu.memref_squeeze %dma_wait3A_102 : memref<1x1x128xf32, #tpu.memory_space<hbm>> -> memref<128xf32, #tpu.memory_space<hbm>>
    %dma_wait3A_104 = tpu.memref_slice %arg2[%add3A_53, %dma_wait3A_101, %multiple_of3A] : memref<6x1x2048xf32, #tpu.memory_space<hbm>> -> memref<1x1x128xf32, #tpu.memory_space<hbm>>
    %dma_wait3A_105 = tpu.memref_squeeze %dma_wait3A_104 : memref<1x1x128xf32, #tpu.memory_space<hbm>> -> memref<128xf32, #tpu.memory_space<hbm>>
    tpu.wait_dma2 semaphore(%arg13 : memref<!tpu.dma_semaphore, #tpu.memory_space<semaphore_mem>>) src(%dma_wait3A_105 : memref<128xf32, #tpu.memory_space<hbm>>) dst(%arg7 : memref<128xf32, #tpu.memory_space<vmem>>)
    %dma_wait3A_106 = arith.constant 0 : i32
    %dma_wait3A_107 = arith.constant 0 : i32
    %dma_wait3A_108 = tpu.memref_slice %arg3[%add3A_62, %dma_wait3A_106, %dma_wait3A_107] : memref<6x1x1024xf32, #tpu.memory_space<hbm>> -> memref<1x1x1024xf32, #tpu.memory_space<hbm>>
    %dma_wait3A_109 = tpu.memref_squeeze %dma_wait3A_108 : memref<1x1x1024xf32, #tpu.memory_space<hbm>> -> memref<1024xf32, #tpu.memory_space<hbm>>
    %dma_wait3A_110 = arith.constant 0 : i32
    %dma_wait3A_111 = tpu.memref_slice %arg3[%add3A_62, %dma_wait3A_106, %dma_wait3A_110] : memref<6x1x1024xf32, #tpu.memory_space<hbm>> -> memref<1x1x1024xf32, #tpu.memory_space<hbm>>
    %dma_wait3A_112 = tpu.memref_squeeze %dma_wait3A_111 : memref<1x1x1024xf32, #tpu.memory_space<hbm>> -> memref<1024xf32, #tpu.memory_space<hbm>>
    tpu.wait_dma2 semaphore(%arg13 : memref<!tpu.dma_semaphore, #tpu.memory_space<semaphore_mem>>) src(%dma_wait3A_112 : memref<1024xf32, #tpu.memory_space<hbm>>) dst(%arg8 : memref<1024xf32, #tpu.memory_space<vmem>>)
    %dma_wait3A_113 = arith.constant 0 : i32
    %dma_wait3A_114 = arith.constant 0 : i32
    %dma_wait3A_115 = tpu.memref_slice %arg3[%add3A_73, %dma_wait3A_113, %dma_wait3A_114] : memref<6x1x1024xf32, #tpu.memory_space<hbm>> -> memref<1x1x1024xf32, #tpu.memory_space<hbm>>
    %dma_wait3A_116 = tpu.memref_squeeze %dma_wait3A_115 : memref<1x1x1024xf32, #tpu.memory_space<hbm>> -> memref<1024xf32, #tpu.memory_space<hbm>>
    %dma_wait3A_117 = arith.constant 0 : i32
    %dma_wait3A_118 = tpu.memref_slice %arg3[%add3A_73, %dma_wait3A_113, %dma_wait3A_117] : memref<6x1x1024xf32, #tpu.memory_space<hbm>> -> memref<1x1x1024xf32, #tpu.memory_space<hbm>>
    %dma_wait3A_119 = tpu.memref_squeeze %dma_wait3A_118 : memref<1x1x1024xf32, #tpu.memory_space<hbm>> -> memref<1024xf32, #tpu.memory_space<hbm>>
    tpu.wait_dma2 semaphore(%arg13 : memref<!tpu.dma_semaphore, #tpu.memory_space<semaphore_mem>>) src(%dma_wait3A_119 : memref<1024xf32, #tpu.memory_space<hbm>>) dst(%arg9 : memref<1024xf32, #tpu.memory_space<vmem>>)
    %dma_wait3A_120 = arith.constant 0 : i32
    %dma_wait3A_121 = arith.constant 0 : i32
    %dma_wait3A_122 = tpu.memref_slice %arg3[%add3A_84, %dma_wait3A_120, %dma_wait3A_121] : memref<6x1x1024xf32, #tpu.memory_space<hbm>> -> memref<1x1x1024xf32, #tpu.memory_space<hbm>>
    %dma_wait3A_123 = tpu.memref_squeeze %dma_wait3A_122 : memref<1x1x1024xf32, #tpu.memory_space<hbm>> -> memref<1024xf32, #tpu.memory_space<hbm>>
    %dma_wait3A_124 = arith.constant 0 : i32
    %dma_wait3A_125 = tpu.memref_slice %arg3[%add3A_84, %dma_wait3A_120, %dma_wait3A_124] : memref<6x1x1024xf32, #tpu.memory_space<hbm>> -> memref<1x1x1024xf32, #tpu.memory_space<hbm>>
    %dma_wait3A_126 = tpu.memref_squeeze %dma_wait3A_125 : memref<1x1x1024xf32, #tpu.memory_space<hbm>> -> memref<1024xf32, #tpu.memory_space<hbm>>
    tpu.wait_dma2 semaphore(%arg13 : memref<!tpu.dma_semaphore, #tpu.memory_space<semaphore_mem>>) src(%dma_wait3A_126 : memref<1024xf32, #tpu.memory_space<hbm>>) dst(%arg10 : memref<1024xf32, #tpu.memory_space<vmem>>)
    %scan3A = arith.constant 0 : i32
    %scan3A_127 = arith.constant 0 : i32
    %scan3A_128 = arith.constant 64 : i32
    %scan3A_129 = arith.addi %scan3A_127, %scan3A_128 : i32
    %scan3A_130 = arith.constant 1 : i32
    scf.for %scan3A_425 = %scan3A_127 to %scan3A_129 step %scan3A_130  : i32 {
      %mul3A_426 = arith.constant 16 : i32
      %mul3A_427 = arith.muli %scan3A_425, %mul3A_426 : i32
      %get3A_428 = arith.index_cast %mul3A_427 : i32 to index
      %get3A_429 = tpu.vector_load %arg8[%get3A_428] {strides = array<i32>} : memref<1024xf32, #tpu.memory_space<vmem>>, vector<16xf32>,
      %get3A_430 = arith.index_cast %mul3A_427 : i32 to index
      %get3A_431 = tpu.vector_load %arg9[%get3A_430] {strides = array<i32>} : memref<1024xf32, #tpu.memory_space<vmem>>, vector<16xf32>,
      %get3A_432 = arith.index_cast %mul3A_427 : i32 to index
      %get3A_433 = tpu.vector_load %arg10[%get3A_432] {strides = array<i32>} : memref<1024xf32, #tpu.memory_space<vmem>>, vector<16xf32>,
      %mul3A_434 = arith.mulf %get3A_429, %get3A_429 : vector<16xf32>
      %mul3A_435 = arith.mulf %get3A_431, %get3A_431 : vector<16xf32>
      %add3A_436 = arith.addf %mul3A_434, %mul3A_435 : vector<16xf32>
      %mul3A_437 = arith.mulf %get3A_433, %get3A_433 : vector<16xf32>
      %add3A_438 = arith.addf %add3A_436, %mul3A_437 : vector<16xf32>
      %swap3A_439 = arith.index_cast %mul3A_427 : i32 to index
      %swap3A_440 = tpu.vector_load %arg11[%swap3A_439] {strides = array<i32>} : memref<1024xf32, #tpu.memory_space<vmem>>, vector<16xf32>,
      tpu.vector_store %arg11[%swap3A_439], %add3A_438 {strides = array<i32>} : memref<1024xf32, #tpu.memory_space<vmem>>, vector<16xf32>,
      %mul3A_441 = arith.constant -2.000000e+00 : f32
      %mul3A_442 = vector.broadcast %mul3A_441 : f32 to vector<16xf32>
      %mul3A_443 = arith.mulf %mul3A_442, %get3A_429 : vector<16xf32>
      %swap3A_444 = arith.index_cast %mul3A_427 : i32 to index
      %swap3A_445 = tpu.vector_load %arg8[%swap3A_444] {strides = array<i32>} : memref<1024xf32, #tpu.memory_space<vmem>>, vector<16xf32>,
      tpu.vector_store %arg8[%swap3A_444], %mul3A_443 {strides = array<i32>} : memref<1024xf32, #tpu.memory_space<vmem>>, vector<16xf32>,
      %mul3A_446 = arith.constant -2.000000e+00 : f32
      %mul3A_447 = vector.broadcast %mul3A_446 : f32 to vector<16xf32>
      %mul3A_448 = arith.mulf %mul3A_447, %get3A_431 : vector<16xf32>
      %swap3A_449 = arith.index_cast %mul3A_427 : i32 to index
      %swap3A_450 = tpu.vector_load %arg9[%swap3A_449] {strides = array<i32>} : memref<1024xf32, #tpu.memory_space<vmem>>, vector<16xf32>,
      tpu.vector_store %arg9[%swap3A_449], %mul3A_448 {strides = array<i32>} : memref<1024xf32, #tpu.memory_space<vmem>>, vector<16xf32>,
      %mul3A_451 = arith.constant -2.000000e+00 : f32
      %mul3A_452 = vector.broadcast %mul3A_451 : f32 to vector<16xf32>
      %mul3A_453 = arith.mulf %mul3A_452, %get3A_433 : vector<16xf32>
      %swap3A_454 = arith.index_cast %mul3A_427 : i32 to index
      %swap3A_455 = tpu.vector_load %arg10[%swap3A_454] {strides = array<i32>} : memref<1024xf32, #tpu.memory_space<vmem>>, vector<16xf32>,
      tpu.vector_store %arg10[%swap3A_454], %mul3A_453 {strides = array<i32>} : memref<1024xf32, #tpu.memory_space<vmem>>, vector<16xf32>,
    }
    %scan3A_131 = arith.constant 64 : i32
    %get3A = arith.constant 0 : index
    %get3A_132 = tpu.vector_load %arg5[%get3A] {strides = array<i32>} : memref<128xf32, #tpu.memory_space<vmem>>, vector<16xf32>,
    %get3A_133 = arith.constant 0 : index
    %get3A_134 = tpu.vector_load %arg6[%get3A_133] {strides = array<i32>} : memref<128xf32, #tpu.memory_space<vmem>>, vector<16xf32>,
    %get3A_135 = arith.constant 0 : index
    %get3A_136 = tpu.vector_load %arg7[%get3A_135] {strides = array<i32>} : memref<128xf32, #tpu.memory_space<vmem>>, vector<16xf32>,
    %mul3A_137 = arith.mulf %get3A_132, %get3A_132 : vector<16xf32>
    %mul3A_138 = arith.mulf %get3A_134, %get3A_134 : vector<16xf32>
    %add3A_139 = arith.addf %mul3A_137, %mul3A_138 : vector<16xf32>
    %mul3A_140 = arith.mulf %get3A_136, %get3A_136 : vector<16xf32>
    %add3A_141 = arith.addf %add3A_139, %mul3A_140 : vector<16xf32>
    %broadcast_in_dim3A = arith.constant 3.000000e+38 : f32
    %broadcast_in_dim3A_142 = vector.broadcast %broadcast_in_dim3A : f32 to vector<16xf32>
    %broadcast_in_dim3A_143 = arith.constant 3.000000e+38 : f32
    %broadcast_in_dim3A_144 = vector.broadcast %broadcast_in_dim3A_143 : f32 to vector<16xf32>
    %broadcast_in_dim3A_145 = arith.constant 3.000000e+38 : f32
    %broadcast_in_dim3A_146 = vector.broadcast %broadcast_in_dim3A_145 : f32 to vector<16xf32>
    %broadcast_in_dim3A_147 = arith.constant 3.000000e+38 : f32
    %broadcast_in_dim3A_148 = vector.broadcast %broadcast_in_dim3A_147 : f32 to vector<16xf32>
    %broadcast_in_dim3A_149 = arith.constant 3.000000e+38 : f32
    %broadcast_in_dim3A_150 = vector.broadcast %broadcast_in_dim3A_149 : f32 to vector<16xf32>
    %scan3A_151 = arith.constant 0 : i32
    %scan3A_152 = arith.constant 512 : i32
    %scan3A_153 = arith.addi %scan3A_151, %scan3A_152 : i32
    %scan3A_154 = arith.constant 1 : i32
    %scan3A_155:5 = scf.for %scan3A_425 = %scan3A_151 to %scan3A_153 step %scan3A_154 iter_args(%scan3A_426 = %broadcast_in_dim3A_142, %scan3A_427 = %broadcast_in_dim3A_144, %scan3A_428 = %broadcast_in_dim3A_146, %scan3A_429 = %broadcast_in_dim3A_148, %scan3A_430 = %broadcast_in_dim3A_150) -> (vector<16xf32>, vector<16xf32>, vector<16xf32>, vector<16xf32>, vector<16xf32>)  : i32 {
      %mul3A_431 = arith.constant 2 : i32
      %mul3A_432 = arith.muli %scan3A_425, %mul3A_431 : i32
      %add3A_433 = arith.constant 0 : i32
      %add3A_434 = arith.addi %mul3A_432, %add3A_433 : i32
      %broadcast_in_dim3A_435 = vector.broadcast %add3A_434 : i32 to vector<16xi32>
      %gather3A = tpu.vector_load_idx %arg8[%broadcast_in_dim3A_435] : memref<1024xf32, #tpu.memory_space<vmem>>[vector<16xi32>], vector<16xf32>,
      %gather3A_436 = tpu.vector_load_idx %arg9[%broadcast_in_dim3A_435] : memref<1024xf32, #tpu.memory_space<vmem>>[vector<16xi32>], vector<16xf32>,
      %gather3A_437 = tpu.vector_load_idx %arg10[%broadcast_in_dim3A_435] : memref<1024xf32, #tpu.memory_space<vmem>>[vector<16xi32>], vector<16xf32>,
      %gather3A_438 = tpu.vector_load_idx %arg11[%broadcast_in_dim3A_435] : memref<1024xf32, #tpu.memory_space<vmem>>[vector<16xi32>], vector<16xf32>,
      %mul3A_439 = arith.mulf %get3A_132, %gather3A : vector<16xf32>
      %add3A_440 = arith.addf %gather3A_438, %mul3A_439 : vector<16xf32>
      %mul3A_441 = arith.mulf %get3A_134, %gather3A_436 : vector<16xf32>
      %mul3A_442 = arith.mulf %get3A_136, %gather3A_437 : vector<16xf32>
      %add3A_443 = arith.addf %mul3A_441, %mul3A_442 : vector<16xf32>
      %add3A_444 = arith.addf %add3A_440, %add3A_443 : vector<16xf32>
      %min3A = arith.minimumf %scan3A_426, %add3A_444 : vector<16xf32>
      %max3A = arith.maximumf %scan3A_426, %add3A_444 : vector<16xf32>
      %min3A_445 = arith.minimumf %scan3A_427, %max3A : vector<16xf32>
      %max3A_446 = arith.maximumf %scan3A_427, %add3A_444 : vector<16xf32>
      %min3A_447 = arith.minimumf %scan3A_428, %max3A_446 : vector<16xf32>
      %max3A_448 = arith.maximumf %scan3A_428, %add3A_444 : vector<16xf32>
      %min3A_449 = arith.minimumf %scan3A_429, %max3A_448 : vector<16xf32>
      %max3A_450 = arith.maximumf %scan3A_429, %add3A_444 : vector<16xf32>
      %min3A_451 = arith.minimumf %scan3A_430, %max3A_450 : vector<16xf32>
      %mul3A_452 = arith.constant 2 : i32
      %mul3A_453 = arith.muli %scan3A_425, %mul3A_452 : i32
      %add3A_454 = arith.constant 1 : i32
      %add3A_455 = arith.addi %mul3A_453, %add3A_454 : i32
      %broadcast_in_dim3A_456 = vector.broadcast %add3A_455 : i32 to vector<16xi32>
      %gather3A_457 = tpu.vector_load_idx %arg8[%broadcast_in_dim3A_456] : memref<1024xf32, #tpu.memory_space<vmem>>[vector<16xi32>], vector<16xf32>,
      %gather3A_458 = tpu.vector_load_idx %arg9[%broadcast_in_dim3A_456] : memref<1024xf32, #tpu.memory_space<vmem>>[vector<16xi32>], vector<16xf32>,
      %gather3A_459 = tpu.vector_load_idx %arg10[%broadcast_in_dim3A_456] : memref<1024xf32, #tpu.memory_space<vmem>>[vector<16xi32>], vector<16xf32>,
      %gather3A_460 = tpu.vector_load_idx %arg11[%broadcast_in_dim3A_456] : memref<1024xf32, #tpu.memory_space<vmem>>[vector<16xi32>], vector<16xf32>,
      %mul3A_461 = arith.mulf %get3A_132, %gather3A_457 : vector<16xf32>
      %add3A_462 = arith.addf %gather3A_460, %mul3A_461 : vector<16xf32>
      %mul3A_463 = arith.mulf %get3A_134, %gather3A_458 : vector<16xf32>
      %mul3A_464 = arith.mulf %get3A_136, %gather3A_459 : vector<16xf32>
      %add3A_465 = arith.addf %mul3A_463, %mul3A_464 : vector<16xf32>
      %add3A_466 = arith.addf %add3A_462, %add3A_465 : vector<16xf32>
      %min3A_467 = arith.minimumf %min3A, %add3A_466 : vector<16xf32>
      %max3A_468 = arith.maximumf %min3A, %add3A_466 : vector<16xf32>
      %min3A_469 = arith.minimumf %min3A_445, %max3A_468 : vector<16xf32>
      %max3A_470 = arith.maximumf %min3A_445, %add3A_466 : vector<16xf32>
      %min3A_471 = arith.minimumf %min3A_447, %max3A_470 : vector<16xf32>
      %max3A_472 = arith.maximumf %min3A_447, %add3A_466 : vector<16xf32>
      %min3A_473 = arith.minimumf %min3A_449, %max3A_472 : vector<16xf32>
      %max3A_474 = arith.maximumf %min3A_449, %add3A_466 : vector<16xf32>
      %min3A_475 = arith.minimumf %min3A_451, %max3A_474 : vector<16xf32>
      scf.yield %min3A_467, %min3A_469, %min3A_471, %min3A_473, %min3A_475 : vector<16xf32>, vector<16xf32>, vector<16xf32>, vector<16xf32>, vector<16xf32>
    }
    %scan3A_156 = arith.constant 512 : i32
    %add3A_157 = arith.addf %scan3A_155#0, %scan3A_155#1 : vector<16xf32>
    %add3A_158 = arith.addf %add3A_157, %scan3A_155#2 : vector<16xf32>
    %add3A_159 = arith.addf %add3A_158, %scan3A_155#3 : vector<16xf32>
    %add3A_160 = arith.addf %add3A_159, %scan3A_155#4 : vector<16xf32>
    %mul3A_161 = arith.constant 5.000000e+00 : f32
    %mul3A_162 = vector.broadcast %mul3A_161 : f32 to vector<16xf32>
    %mul3A_163 = arith.mulf %mul3A_162, %add3A_141 : vector<16xf32>
    %add3A_164 = arith.addf %add3A_160, %mul3A_163 : vector<16xf32>
    %swap3A = arith.constant 0 : index
    %swap3A_165 = tpu.vector_load %arg12[%swap3A] {strides = array<i32>} : memref<128xf32, #tpu.memory_space<vmem>>, vector<16xf32>,
    tpu.vector_store %arg12[%swap3A], %add3A_164 {strides = array<i32>} : memref<128xf32, #tpu.memory_space<vmem>>, vector<16xf32>,
    %get3A_166 = arith.constant 16 : index
    %get3A_167 = tpu.vector_load %arg5[%get3A_166] {strides = array<i32>} : memref<128xf32, #tpu.memory_space<vmem>>, vector<16xf32>,
    %get3A_168 = arith.constant 16 : index
    %get3A_169 = tpu.vector_load %arg6[%get3A_168] {strides = array<i32>} : memref<128xf32, #tpu.memory_space<vmem>>, vector<16xf32>,
    %get3A_170 = arith.constant 16 : index
    %get3A_171 = tpu.vector_load %arg7[%get3A_170] {strides = array<i32>} : memref<128xf32, #tpu.memory_space<vmem>>, vector<16xf32>,
    %mul3A_172 = arith.mulf %get3A_167, %get3A_167 : vector<16xf32>
    %mul3A_173 = arith.mulf %get3A_169, %get3A_169 : vector<16xf32>
    %add3A_174 = arith.addf %mul3A_172, %mul3A_173 : vector<16xf32>
    %mul3A_175 = arith.mulf %get3A_171, %get3A_171 : vector<16xf32>
    %add3A_176 = arith.addf %add3A_174, %mul3A_175 : vector<16xf32>
    %broadcast_in_dim3A_177 = arith.constant 3.000000e+38 : f32
    %broadcast_in_dim3A_178 = vector.broadcast %broadcast_in_dim3A_177 : f32 to vector<16xf32>
    %broadcast_in_dim3A_179 = arith.constant 3.000000e+38 : f32
    %broadcast_in_dim3A_180 = vector.broadcast %broadcast_in_dim3A_179 : f32 to vector<16xf32>
    %broadcast_in_dim3A_181 = arith.constant 3.000000e+38 : f32
    %broadcast_in_dim3A_182 = vector.broadcast %broadcast_in_dim3A_181 : f32 to vector<16xf32>
    %broadcast_in_dim3A_183 = arith.constant 3.000000e+38 : f32
    %broadcast_in_dim3A_184 = vector.broadcast %broadcast_in_dim3A_183 : f32 to vector<16xf32>
    %broadcast_in_dim3A_185 = arith.constant 3.000000e+38 : f32
    %broadcast_in_dim3A_186 = vector.broadcast %broadcast_in_dim3A_185 : f32 to vector<16xf32>
    %scan3A_187 = arith.constant 0 : i32
    %scan3A_188 = arith.constant 512 : i32
    %scan3A_189 = arith.addi %scan3A_187, %scan3A_188 : i32
    %scan3A_190 = arith.constant 1 : i32
    %scan3A_191:5 = scf.for %scan3A_425 = %scan3A_187 to %scan3A_189 step %scan3A_190 iter_args(%scan3A_426 = %broadcast_in_dim3A_178, %scan3A_427 = %broadcast_in_dim3A_180, %scan3A_428 = %broadcast_in_dim3A_182, %scan3A_429 = %broadcast_in_dim3A_184, %scan3A_430 = %broadcast_in_dim3A_186) -> (vector<16xf32>, vector<16xf32>, vector<16xf32>, vector<16xf32>, vector<16xf32>)  : i32 {
      %mul3A_431 = arith.constant 2 : i32
      %mul3A_432 = arith.muli %scan3A_425, %mul3A_431 : i32
      %add3A_433 = arith.constant 0 : i32
      %add3A_434 = arith.addi %mul3A_432, %add3A_433 : i32
      %broadcast_in_dim3A_435 = vector.broadcast %add3A_434 : i32 to vector<16xi32>
      %gather3A = tpu.vector_load_idx %arg8[%broadcast_in_dim3A_435] : memref<1024xf32, #tpu.memory_space<vmem>>[vector<16xi32>], vector<16xf32>,
      %gather3A_436 = tpu.vector_load_idx %arg9[%broadcast_in_dim3A_435] : memref<1024xf32, #tpu.memory_space<vmem>>[vector<16xi32>], vector<16xf32>,
      %gather3A_437 = tpu.vector_load_idx %arg10[%broadcast_in_dim3A_435] : memref<1024xf32, #tpu.memory_space<vmem>>[vector<16xi32>], vector<16xf32>,
      %gather3A_438 = tpu.vector_load_idx %arg11[%broadcast_in_dim3A_435] : memref<1024xf32, #tpu.memory_space<vmem>>[vector<16xi32>], vector<16xf32>,
      %mul3A_439 = arith.mulf %get3A_167, %gather3A : vector<16xf32>
      %add3A_440 = arith.addf %gather3A_438, %mul3A_439 : vector<16xf32>
      %mul3A_441 = arith.mulf %get3A_169, %gather3A_436 : vector<16xf32>
      %mul3A_442 = arith.mulf %get3A_171, %gather3A_437 : vector<16xf32>
      %add3A_443 = arith.addf %mul3A_441, %mul3A_442 : vector<16xf32>
      %add3A_444 = arith.addf %add3A_440, %add3A_443 : vector<16xf32>
      %min3A = arith.minimumf %scan3A_426, %add3A_444 : vector<16xf32>
      %max3A = arith.maximumf %scan3A_426, %add3A_444 : vector<16xf32>
      %min3A_445 = arith.minimumf %scan3A_427, %max3A : vector<16xf32>
      %max3A_446 = arith.maximumf %scan3A_427, %add3A_444 : vector<16xf32>
      %min3A_447 = arith.minimumf %scan3A_428, %max3A_446 : vector<16xf32>
      %max3A_448 = arith.maximumf %scan3A_428, %add3A_444 : vector<16xf32>
      %min3A_449 = arith.minimumf %scan3A_429, %max3A_448 : vector<16xf32>
      %max3A_450 = arith.maximumf %scan3A_429, %add3A_444 : vector<16xf32>
      %min3A_451 = arith.minimumf %scan3A_430, %max3A_450 : vector<16xf32>
      %mul3A_452 = arith.constant 2 : i32
      %mul3A_453 = arith.muli %scan3A_425, %mul3A_452 : i32
      %add3A_454 = arith.constant 1 : i32
      %add3A_455 = arith.addi %mul3A_453, %add3A_454 : i32
      %broadcast_in_dim3A_456 = vector.broadcast %add3A_455 : i32 to vector<16xi32>
      %gather3A_457 = tpu.vector_load_idx %arg8[%broadcast_in_dim3A_456] : memref<1024xf32, #tpu.memory_space<vmem>>[vector<16xi32>], vector<16xf32>,
      %gather3A_458 = tpu.vector_load_idx %arg9[%broadcast_in_dim3A_456] : memref<1024xf32, #tpu.memory_space<vmem>>[vector<16xi32>], vector<16xf32>,
      %gather3A_459 = tpu.vector_load_idx %arg10[%broadcast_in_dim3A_456] : memref<1024xf32, #tpu.memory_space<vmem>>[vector<16xi32>], vector<16xf32>,
      %gather3A_460 = tpu.vector_load_idx %arg11[%broadcast_in_dim3A_456] : memref<1024xf32, #tpu.memory_space<vmem>>[vector<16xi32>], vector<16xf32>,
      %mul3A_461 = arith.mulf %get3A_167, %gather3A_457 : vector<16xf32>
      %add3A_462 = arith.addf %gather3A_460, %mul3A_461 : vector<16xf32>
      %mul3A_463 = arith.mulf %get3A_169, %gather3A_458 : vector<16xf32>
      %mul3A_464 = arith.mulf %get3A_171, %gather3A_459 : vector<16xf32>
      %add3A_465 = arith.addf %mul3A_463, %mul3A_464 : vector<16xf32>
      %add3A_466 = arith.addf %add3A_462, %add3A_465 : vector<16xf32>
      %min3A_467 = arith.minimumf %min3A, %add3A_466 : vector<16xf32>
      %max3A_468 = arith.maximumf %min3A, %add3A_466 : vector<16xf32>
      %min3A_469 = arith.minimumf %min3A_445, %max3A_468 : vector<16xf32>
      %max3A_470 = arith.maximumf %min3A_445, %add3A_466 : vector<16xf32>
      %min3A_471 = arith.minimumf %min3A_447, %max3A_470 : vector<16xf32>
      %max3A_472 = arith.maximumf %min3A_447, %add3A_466 : vector<16xf32>
      %min3A_473 = arith.minimumf %min3A_449, %max3A_472 : vector<16xf32>
      %max3A_474 = arith.maximumf %min3A_449, %add3A_466 : vector<16xf32>
      %min3A_475 = arith.minimumf %min3A_451, %max3A_474 : vector<16xf32>
      scf.yield %min3A_467, %min3A_469, %min3A_471, %min3A_473, %min3A_475 : vector<16xf32>, vector<16xf32>, vector<16xf32>, vector<16xf32>, vector<16xf32>
    }
    %scan3A_192 = arith.constant 512 : i32
    %add3A_193 = arith.addf %scan3A_191#0, %scan3A_191#1 : vector<16xf32>
    %add3A_194 = arith.addf %add3A_193, %scan3A_191#2 : vector<16xf32>
    %add3A_195 = arith.addf %add3A_194, %scan3A_191#3 : vector<16xf32>
    %add3A_196 = arith.addf %add3A_195, %scan3A_191#4 : vector<16xf32>
    %mul3A_197 = arith.constant 5.000000e+00 : f32
    %mul3A_198 = vector.broadcast %mul3A_197 : f32 to vector<16xf32>
    %mul3A_199 = arith.mulf %mul3A_198, %add3A_176 : vector<16xf32>
    %add3A_200 = arith.addf %add3A_196, %mul3A_199 : vector<16xf32>
    %swap3A_201 = arith.constant 16 : index
    %swap3A_202 = tpu.vector_load %arg12[%swap3A_201] {strides = array<i32>} : memref<128xf32, #tpu.memory_space<vmem>>, vector<16xf32>,
    tpu.vector_store %arg12[%swap3A_201], %add3A_200 {strides = array<i32>} : memref<128xf32, #tpu.memory_space<vmem>>, vector<16xf32>,
    %get3A_203 = arith.constant 32 : index
    %get3A_204 = tpu.vector_load %arg5[%get3A_203] {strides = array<i32>} : memref<128xf32, #tpu.memory_space<vmem>>, vector<16xf32>,
    %get3A_205 = arith.constant 32 : index
    %get3A_206 = tpu.vector_load %arg6[%get3A_205] {strides = array<i32>} : memref<128xf32, #tpu.memory_space<vmem>>, vector<16xf32>,
    %get3A_207 = arith.constant 32 : index
    %get3A_208 = tpu.vector_load %arg7[%get3A_207] {strides = array<i32>} : memref<128xf32, #tpu.memory_space<vmem>>, vector<16xf32>,
    %mul3A_209 = arith.mulf %get3A_204, %get3A_204 : vector<16xf32>
    %mul3A_210 = arith.mulf %get3A_206, %get3A_206 : vector<16xf32>
    %add3A_211 = arith.addf %mul3A_209, %mul3A_210 : vector<16xf32>
    %mul3A_212 = arith.mulf %get3A_208, %get3A_208 : vector<16xf32>
    %add3A_213 = arith.addf %add3A_211, %mul3A_212 : vector<16xf32>
    %broadcast_in_dim3A_214 = arith.constant 3.000000e+38 : f32
    %broadcast_in_dim3A_215 = vector.broadcast %broadcast_in_dim3A_214 : f32 to vector<16xf32>
    %broadcast_in_dim3A_216 = arith.constant 3.000000e+38 : f32
    %broadcast_in_dim3A_217 = vector.broadcast %broadcast_in_dim3A_216 : f32 to vector<16xf32>
    %broadcast_in_dim3A_218 = arith.constant 3.000000e+38 : f32
    %broadcast_in_dim3A_219 = vector.broadcast %broadcast_in_dim3A_218 : f32 to vector<16xf32>
    %broadcast_in_dim3A_220 = arith.constant 3.000000e+38 : f32
    %broadcast_in_dim3A_221 = vector.broadcast %broadcast_in_dim3A_220 : f32 to vector<16xf32>
    %broadcast_in_dim3A_222 = arith.constant 3.000000e+38 : f32
    %broadcast_in_dim3A_223 = vector.broadcast %broadcast_in_dim3A_222 : f32 to vector<16xf32>
    %scan3A_224 = arith.constant 0 : i32
    %scan3A_225 = arith.constant 512 : i32
    %scan3A_226 = arith.addi %scan3A_224, %scan3A_225 : i32
    %scan3A_227 = arith.constant 1 : i32
    %scan3A_228:5 = scf.for %scan3A_425 = %scan3A_224 to %scan3A_226 step %scan3A_227 iter_args(%scan3A_426 = %broadcast_in_dim3A_215, %scan3A_427 = %broadcast_in_dim3A_217, %scan3A_428 = %broadcast_in_dim3A_219, %scan3A_429 = %broadcast_in_dim3A_221, %scan3A_430 = %broadcast_in_dim3A_223) -> (vector<16xf32>, vector<16xf32>, vector<16xf32>, vector<16xf32>, vector<16xf32>)  : i32 {
      %mul3A_431 = arith.constant 2 : i32
      %mul3A_432 = arith.muli %scan3A_425, %mul3A_431 : i32
      %add3A_433 = arith.constant 0 : i32
      %add3A_434 = arith.addi %mul3A_432, %add3A_433 : i32
      %broadcast_in_dim3A_435 = vector.broadcast %add3A_434 : i32 to vector<16xi32>
      %gather3A = tpu.vector_load_idx %arg8[%broadcast_in_dim3A_435] : memref<1024xf32, #tpu.memory_space<vmem>>[vector<16xi32>], vector<16xf32>,
      %gather3A_436 = tpu.vector_load_idx %arg9[%broadcast_in_dim3A_435] : memref<1024xf32, #tpu.memory_space<vmem>>[vector<16xi32>], vector<16xf32>,
      %gather3A_437 = tpu.vector_load_idx %arg10[%broadcast_in_dim3A_435] : memref<1024xf32, #tpu.memory_space<vmem>>[vector<16xi32>], vector<16xf32>,
      %gather3A_438 = tpu.vector_load_idx %arg11[%broadcast_in_dim3A_435] : memref<1024xf32, #tpu.memory_space<vmem>>[vector<16xi32>], vector<16xf32>,
      %mul3A_439 = arith.mulf %get3A_204, %gather3A : vector<16xf32>
      %add3A_440 = arith.addf %gather3A_438, %mul3A_439 : vector<16xf32>
      %mul3A_441 = arith.mulf %get3A_206, %gather3A_436 : vector<16xf32>
      %mul3A_442 = arith.mulf %get3A_208, %gather3A_437 : vector<16xf32>
      %add3A_443 = arith.addf %mul3A_441, %mul3A_442 : vector<16xf32>
      %add3A_444 = arith.addf %add3A_440, %add3A_443 : vector<16xf32>
      %min3A = arith.minimumf %scan3A_426, %add3A_444 : vector<16xf32>
      %max3A = arith.maximumf %scan3A_426, %add3A_444 : vector<16xf32>
      %min3A_445 = arith.minimumf %scan3A_427, %max3A : vector<16xf32>
      %max3A_446 = arith.maximumf %scan3A_427, %add3A_444 : vector<16xf32>
      %min3A_447 = arith.minimumf %scan3A_428, %max3A_446 : vector<16xf32>
      %max3A_448 = arith.maximumf %scan3A_428, %add3A_444 : vector<16xf32>
      %min3A_449 = arith.minimumf %scan3A_429, %max3A_448 : vector<16xf32>
      %max3A_450 = arith.maximumf %scan3A_429, %add3A_444 : vector<16xf32>
      %min3A_451 = arith.minimumf %scan3A_430, %max3A_450 : vector<16xf32>
      %mul3A_452 = arith.constant 2 : i32
      %mul3A_453 = arith.muli %scan3A_425, %mul3A_452 : i32
      %add3A_454 = arith.constant 1 : i32
      %add3A_455 = arith.addi %mul3A_453, %add3A_454 : i32
      %broadcast_in_dim3A_456 = vector.broadcast %add3A_455 : i32 to vector<16xi32>
      %gather3A_457 = tpu.vector_load_idx %arg8[%broadcast_in_dim3A_456] : memref<1024xf32, #tpu.memory_space<vmem>>[vector<16xi32>], vector<16xf32>,
      %gather3A_458 = tpu.vector_load_idx %arg9[%broadcast_in_dim3A_456] : memref<1024xf32, #tpu.memory_space<vmem>>[vector<16xi32>], vector<16xf32>,
      %gather3A_459 = tpu.vector_load_idx %arg10[%broadcast_in_dim3A_456] : memref<1024xf32, #tpu.memory_space<vmem>>[vector<16xi32>], vector<16xf32>,
      %gather3A_460 = tpu.vector_load_idx %arg11[%broadcast_in_dim3A_456] : memref<1024xf32, #tpu.memory_space<vmem>>[vector<16xi32>], vector<16xf32>,
      %mul3A_461 = arith.mulf %get3A_204, %gather3A_457 : vector<16xf32>
      %add3A_462 = arith.addf %gather3A_460, %mul3A_461 : vector<16xf32>
      %mul3A_463 = arith.mulf %get3A_206, %gather3A_458 : vector<16xf32>
      %mul3A_464 = arith.mulf %get3A_208, %gather3A_459 : vector<16xf32>
      %add3A_465 = arith.addf %mul3A_463, %mul3A_464 : vector<16xf32>
      %add3A_466 = arith.addf %add3A_462, %add3A_465 : vector<16xf32>
      %min3A_467 = arith.minimumf %min3A, %add3A_466 : vector<16xf32>
      %max3A_468 = arith.maximumf %min3A, %add3A_466 : vector<16xf32>
      %min3A_469 = arith.minimumf %min3A_445, %max3A_468 : vector<16xf32>
      %max3A_470 = arith.maximumf %min3A_445, %add3A_466 : vector<16xf32>
      %min3A_471 = arith.minimumf %min3A_447, %max3A_470 : vector<16xf32>
      %max3A_472 = arith.maximumf %min3A_447, %add3A_466 : vector<16xf32>
      %min3A_473 = arith.minimumf %min3A_449, %max3A_472 : vector<16xf32>
      %max3A_474 = arith.maximumf %min3A_449, %add3A_466 : vector<16xf32>
      %min3A_475 = arith.minimumf %min3A_451, %max3A_474 : vector<16xf32>
      scf.yield %min3A_467, %min3A_469, %min3A_471, %min3A_473, %min3A_475 : vector<16xf32>, vector<16xf32>, vector<16xf32>, vector<16xf32>, vector<16xf32>
    }
    %scan3A_229 = arith.constant 512 : i32
    %add3A_230 = arith.addf %scan3A_228#0, %scan3A_228#1 : vector<16xf32>
    %add3A_231 = arith.addf %add3A_230, %scan3A_228#2 : vector<16xf32>
    %add3A_232 = arith.addf %add3A_231, %scan3A_228#3 : vector<16xf32>
    %add3A_233 = arith.addf %add3A_232, %scan3A_228#4 : vector<16xf32>
    %mul3A_234 = arith.constant 5.000000e+00 : f32
    %mul3A_235 = vector.broadcast %mul3A_234 : f32 to vector<16xf32>
    %mul3A_236 = arith.mulf %mul3A_235, %add3A_213 : vector<16xf32>
    %add3A_237 = arith.addf %add3A_233, %mul3A_236 : vector<16xf32>
    %swap3A_238 = arith.constant 32 : index
    %swap3A_239 = tpu.vector_load %arg12[%swap3A_238] {strides = array<i32>} : memref<128xf32, #tpu.memory_space<vmem>>, vector<16xf32>,
    tpu.vector_store %arg12[%swap3A_238], %add3A_237 {strides = array<i32>} : memref<128xf32, #tpu.memory_space<vmem>>, vector<16xf32>,
    %get3A_240 = arith.constant 48 : index
    %get3A_241 = tpu.vector_load %arg5[%get3A_240] {strides = array<i32>} : memref<128xf32, #tpu.memory_space<vmem>>, vector<16xf32>,
    %get3A_242 = arith.constant 48 : index
    %get3A_243 = tpu.vector_load %arg6[%get3A_242] {strides = array<i32>} : memref<128xf32, #tpu.memory_space<vmem>>, vector<16xf32>,
    %get3A_244 = arith.constant 48 : index
    %get3A_245 = tpu.vector_load %arg7[%get3A_244] {strides = array<i32>} : memref<128xf32, #tpu.memory_space<vmem>>, vector<16xf32>,
    %mul3A_246 = arith.mulf %get3A_241, %get3A_241 : vector<16xf32>
    %mul3A_247 = arith.mulf %get3A_243, %get3A_243 : vector<16xf32>
    %add3A_248 = arith.addf %mul3A_246, %mul3A_247 : vector<16xf32>
    %mul3A_249 = arith.mulf %get3A_245, %get3A_245 : vector<16xf32>
    %add3A_250 = arith.addf %add3A_248, %mul3A_249 : vector<16xf32>
    %broadcast_in_dim3A_251 = arith.constant 3.000000e+38 : f32
    %broadcast_in_dim3A_252 = vector.broadcast %broadcast_in_dim3A_251 : f32 to vector<16xf32>
    %broadcast_in_dim3A_253 = arith.constant 3.000000e+38 : f32
    %broadcast_in_dim3A_254 = vector.broadcast %broadcast_in_dim3A_253 : f32 to vector<16xf32>
    %broadcast_in_dim3A_255 = arith.constant 3.000000e+38 : f32
    %broadcast_in_dim3A_256 = vector.broadcast %broadcast_in_dim3A_255 : f32 to vector<16xf32>
    %broadcast_in_dim3A_257 = arith.constant 3.000000e+38 : f32
    %broadcast_in_dim3A_258 = vector.broadcast %broadcast_in_dim3A_257 : f32 to vector<16xf32>
    %broadcast_in_dim3A_259 = arith.constant 3.000000e+38 : f32
    %broadcast_in_dim3A_260 = vector.broadcast %broadcast_in_dim3A_259 : f32 to vector<16xf32>
    %scan3A_261 = arith.constant 0 : i32
    %scan3A_262 = arith.constant 512 : i32
    %scan3A_263 = arith.addi %scan3A_261, %scan3A_262 : i32
    %scan3A_264 = arith.constant 1 : i32
    %scan3A_265:5 = scf.for %scan3A_425 = %scan3A_261 to %scan3A_263 step %scan3A_264 iter_args(%scan3A_426 = %broadcast_in_dim3A_252, %scan3A_427 = %broadcast_in_dim3A_254, %scan3A_428 = %broadcast_in_dim3A_256, %scan3A_429 = %broadcast_in_dim3A_258, %scan3A_430 = %broadcast_in_dim3A_260) -> (vector<16xf32>, vector<16xf32>, vector<16xf32>, vector<16xf32>, vector<16xf32>)  : i32 {
      %mul3A_431 = arith.constant 2 : i32
      %mul3A_432 = arith.muli %scan3A_425, %mul3A_431 : i32
      %add3A_433 = arith.constant 0 : i32
      %add3A_434 = arith.addi %mul3A_432, %add3A_433 : i32
      %broadcast_in_dim3A_435 = vector.broadcast %add3A_434 : i32 to vector<16xi32>
      %gather3A = tpu.vector_load_idx %arg8[%broadcast_in_dim3A_435] : memref<1024xf32, #tpu.memory_space<vmem>>[vector<16xi32>], vector<16xf32>,
      %gather3A_436 = tpu.vector_load_idx %arg9[%broadcast_in_dim3A_435] : memref<1024xf32, #tpu.memory_space<vmem>>[vector<16xi32>], vector<16xf32>,
      %gather3A_437 = tpu.vector_load_idx %arg10[%broadcast_in_dim3A_435] : memref<1024xf32, #tpu.memory_space<vmem>>[vector<16xi32>], vector<16xf32>,
      %gather3A_438 = tpu.vector_load_idx %arg11[%broadcast_in_dim3A_435] : memref<1024xf32, #tpu.memory_space<vmem>>[vector<16xi32>], vector<16xf32>,
      %mul3A_439 = arith.mulf %get3A_241, %gather3A : vector<16xf32>
      %add3A_440 = arith.addf %gather3A_438, %mul3A_439 : vector<16xf32>
      %mul3A_441 = arith.mulf %get3A_243, %gather3A_436 : vector<16xf32>
      %mul3A_442 = arith.mulf %get3A_245, %gather3A_437 : vector<16xf32>
      %add3A_443 = arith.addf %mul3A_441, %mul3A_442 : vector<16xf32>
      %add3A_444 = arith.addf %add3A_440, %add3A_443 : vector<16xf32>
      %min3A = arith.minimumf %scan3A_426, %add3A_444 : vector<16xf32>
      %max3A = arith.maximumf %scan3A_426, %add3A_444 : vector<16xf32>
      %min3A_445 = arith.minimumf %scan3A_427, %max3A : vector<16xf32>
      %max3A_446 = arith.maximumf %scan3A_427, %add3A_444 : vector<16xf32>
      %min3A_447 = arith.minimumf %scan3A_428, %max3A_446 : vector<16xf32>
      %max3A_448 = arith.maximumf %scan3A_428, %add3A_444 : vector<16xf32>
      %min3A_449 = arith.minimumf %scan3A_429, %max3A_448 : vector<16xf32>
      %max3A_450 = arith.maximumf %scan3A_429, %add3A_444 : vector<16xf32>
      %min3A_451 = arith.minimumf %scan3A_430, %max3A_450 : vector<16xf32>
      %mul3A_452 = arith.constant 2 : i32
      %mul3A_453 = arith.muli %scan3A_425, %mul3A_452 : i32
      %add3A_454 = arith.constant 1 : i32
      %add3A_455 = arith.addi %mul3A_453, %add3A_454 : i32
      %broadcast_in_dim3A_456 = vector.broadcast %add3A_455 : i32 to vector<16xi32>
      %gather3A_457 = tpu.vector_load_idx %arg8[%broadcast_in_dim3A_456] : memref<1024xf32, #tpu.memory_space<vmem>>[vector<16xi32>], vector<16xf32>,
      %gather3A_458 = tpu.vector_load_idx %arg9[%broadcast_in_dim3A_456] : memref<1024xf32, #tpu.memory_space<vmem>>[vector<16xi32>], vector<16xf32>,
      %gather3A_459 = tpu.vector_load_idx %arg10[%broadcast_in_dim3A_456] : memref<1024xf32, #tpu.memory_space<vmem>>[vector<16xi32>], vector<16xf32>,
      %gather3A_460 = tpu.vector_load_idx %arg11[%broadcast_in_dim3A_456] : memref<1024xf32, #tpu.memory_space<vmem>>[vector<16xi32>], vector<16xf32>,
      %mul3A_461 = arith.mulf %get3A_241, %gather3A_457 : vector<16xf32>
      %add3A_462 = arith.addf %gather3A_460, %mul3A_461 : vector<16xf32>
      %mul3A_463 = arith.mulf %get3A_243, %gather3A_458 : vector<16xf32>
      %mul3A_464 = arith.mulf %get3A_245, %gather3A_459 : vector<16xf32>
      %add3A_465 = arith.addf %mul3A_463, %mul3A_464 : vector<16xf32>
      %add3A_466 = arith.addf %add3A_462, %add3A_465 : vector<16xf32>
      %min3A_467 = arith.minimumf %min3A, %add3A_466 : vector<16xf32>
      %max3A_468 = arith.maximumf %min3A, %add3A_466 : vector<16xf32>
      %min3A_469 = arith.minimumf %min3A_445, %max3A_468 : vector<16xf32>
      %max3A_470 = arith.maximumf %min3A_445, %add3A_466 : vector<16xf32>
      %min3A_471 = arith.minimumf %min3A_447, %max3A_470 : vector<16xf32>
      %max3A_472 = arith.maximumf %min3A_447, %add3A_466 : vector<16xf32>
      %min3A_473 = arith.minimumf %min3A_449, %max3A_472 : vector<16xf32>
      %max3A_474 = arith.maximumf %min3A_449, %add3A_466 : vector<16xf32>
      %min3A_475 = arith.minimumf %min3A_451, %max3A_474 : vector<16xf32>
      scf.yield %min3A_467, %min3A_469, %min3A_471, %min3A_473, %min3A_475 : vector<16xf32>, vector<16xf32>, vector<16xf32>, vector<16xf32>, vector<16xf32>
    }
    %scan3A_266 = arith.constant 512 : i32
    %add3A_267 = arith.addf %scan3A_265#0, %scan3A_265#1 : vector<16xf32>
    %add3A_268 = arith.addf %add3A_267, %scan3A_265#2 : vector<16xf32>
    %add3A_269 = arith.addf %add3A_268, %scan3A_265#3 : vector<16xf32>
    %add3A_270 = arith.addf %add3A_269, %scan3A_265#4 : vector<16xf32>
    %mul3A_271 = arith.constant 5.000000e+00 : f32
    %mul3A_272 = vector.broadcast %mul3A_271 : f32 to vector<16xf32>
    %mul3A_273 = arith.mulf %mul3A_272, %add3A_250 : vector<16xf32>
    %add3A_274 = arith.addf %add3A_270, %mul3A_273 : vector<16xf32>
    %swap3A_275 = arith.constant 48 : index
    %swap3A_276 = tpu.vector_load %arg12[%swap3A_275] {strides = array<i32>} : memref<128xf32, #tpu.memory_space<vmem>>, vector<16xf32>,
    tpu.vector_store %arg12[%swap3A_275], %add3A_274 {strides = array<i32>} : memref<128xf32, #tpu.memory_space<vmem>>, vector<16xf32>,
    %get3A_277 = arith.constant 64 : index
    %get3A_278 = tpu.vector_load %arg5[%get3A_277] {strides = array<i32>} : memref<128xf32, #tpu.memory_space<vmem>>, vector<16xf32>,
    %get3A_279 = arith.constant 64 : index
    %get3A_280 = tpu.vector_load %arg6[%get3A_279] {strides = array<i32>} : memref<128xf32, #tpu.memory_space<vmem>>, vector<16xf32>,
    %get3A_281 = arith.constant 64 : index
    %get3A_282 = tpu.vector_load %arg7[%get3A_281] {strides = array<i32>} : memref<128xf32, #tpu.memory_space<vmem>>, vector<16xf32>,
    %mul3A_283 = arith.mulf %get3A_278, %get3A_278 : vector<16xf32>
    %mul3A_284 = arith.mulf %get3A_280, %get3A_280 : vector<16xf32>
    %add3A_285 = arith.addf %mul3A_283, %mul3A_284 : vector<16xf32>
    %mul3A_286 = arith.mulf %get3A_282, %get3A_282 : vector<16xf32>
    %add3A_287 = arith.addf %add3A_285, %mul3A_286 : vector<16xf32>
    %broadcast_in_dim3A_288 = arith.constant 3.000000e+38 : f32
    %broadcast_in_dim3A_289 = vector.broadcast %broadcast_in_dim3A_288 : f32 to vector<16xf32>
    %broadcast_in_dim3A_290 = arith.constant 3.000000e+38 : f32
    %broadcast_in_dim3A_291 = vector.broadcast %broadcast_in_dim3A_290 : f32 to vector<16xf32>
    %broadcast_in_dim3A_292 = arith.constant 3.000000e+38 : f32
    %broadcast_in_dim3A_293 = vector.broadcast %broadcast_in_dim3A_292 : f32 to vector<16xf32>
    %broadcast_in_dim3A_294 = arith.constant 3.000000e+38 : f32
    %broadcast_in_dim3A_295 = vector.broadcast %broadcast_in_dim3A_294 : f32 to vector<16xf32>
    %broadcast_in_dim3A_296 = arith.constant 3.000000e+38 : f32
    %broadcast_in_dim3A_297 = vector.broadcast %broadcast_in_dim3A_296 : f32 to vector<16xf32>
    %scan3A_298 = arith.constant 0 : i32
    %scan3A_299 = arith.constant 512 : i32
    %scan3A_300 = arith.addi %scan3A_298, %scan3A_299 : i32
    %scan3A_301 = arith.constant 1 : i32
    %scan3A_302:5 = scf.for %scan3A_425 = %scan3A_298 to %scan3A_300 step %scan3A_301 iter_args(%scan3A_426 = %broadcast_in_dim3A_289, %scan3A_427 = %broadcast_in_dim3A_291, %scan3A_428 = %broadcast_in_dim3A_293, %scan3A_429 = %broadcast_in_dim3A_295, %scan3A_430 = %broadcast_in_dim3A_297) -> (vector<16xf32>, vector<16xf32>, vector<16xf32>, vector<16xf32>, vector<16xf32>)  : i32 {
      %mul3A_431 = arith.constant 2 : i32
      %mul3A_432 = arith.muli %scan3A_425, %mul3A_431 : i32
      %add3A_433 = arith.constant 0 : i32
      %add3A_434 = arith.addi %mul3A_432, %add3A_433 : i32
      %broadcast_in_dim3A_435 = vector.broadcast %add3A_434 : i32 to vector<16xi32>
      %gather3A = tpu.vector_load_idx %arg8[%broadcast_in_dim3A_435] : memref<1024xf32, #tpu.memory_space<vmem>>[vector<16xi32>], vector<16xf32>,
      %gather3A_436 = tpu.vector_load_idx %arg9[%broadcast_in_dim3A_435] : memref<1024xf32, #tpu.memory_space<vmem>>[vector<16xi32>], vector<16xf32>,
      %gather3A_437 = tpu.vector_load_idx %arg10[%broadcast_in_dim3A_435] : memref<1024xf32, #tpu.memory_space<vmem>>[vector<16xi32>], vector<16xf32>,
      %gather3A_438 = tpu.vector_load_idx %arg11[%broadcast_in_dim3A_435] : memref<1024xf32, #tpu.memory_space<vmem>>[vector<16xi32>], vector<16xf32>,
      %mul3A_439 = arith.mulf %get3A_278, %gather3A : vector<16xf32>
      %add3A_440 = arith.addf %gather3A_438, %mul3A_439 : vector<16xf32>
      %mul3A_441 = arith.mulf %get3A_280, %gather3A_436 : vector<16xf32>
      %mul3A_442 = arith.mulf %get3A_282, %gather3A_437 : vector<16xf32>
      %add3A_443 = arith.addf %mul3A_441, %mul3A_442 : vector<16xf32>
      %add3A_444 = arith.addf %add3A_440, %add3A_443 : vector<16xf32>
      %min3A = arith.minimumf %scan3A_426, %add3A_444 : vector<16xf32>
      %max3A = arith.maximumf %scan3A_426, %add3A_444 : vector<16xf32>
      %min3A_445 = arith.minimumf %scan3A_427, %max3A : vector<16xf32>
      %max3A_446 = arith.maximumf %scan3A_427, %add3A_444 : vector<16xf32>
      %min3A_447 = arith.minimumf %scan3A_428, %max3A_446 : vector<16xf32>
      %max3A_448 = arith.maximumf %scan3A_428, %add3A_444 : vector<16xf32>
      %min3A_449 = arith.minimumf %scan3A_429, %max3A_448 : vector<16xf32>
      %max3A_450 = arith.maximumf %scan3A_429, %add3A_444 : vector<16xf32>
      %min3A_451 = arith.minimumf %scan3A_430, %max3A_450 : vector<16xf32>
      %mul3A_452 = arith.constant 2 : i32
      %mul3A_453 = arith.muli %scan3A_425, %mul3A_452 : i32
      %add3A_454 = arith.constant 1 : i32
      %add3A_455 = arith.addi %mul3A_453, %add3A_454 : i32
      %broadcast_in_dim3A_456 = vector.broadcast %add3A_455 : i32 to vector<16xi32>
      %gather3A_457 = tpu.vector_load_idx %arg8[%broadcast_in_dim3A_456] : memref<1024xf32, #tpu.memory_space<vmem>>[vector<16xi32>], vector<16xf32>,
      %gather3A_458 = tpu.vector_load_idx %arg9[%broadcast_in_dim3A_456] : memref<1024xf32, #tpu.memory_space<vmem>>[vector<16xi32>], vector<16xf32>,
      %gather3A_459 = tpu.vector_load_idx %arg10[%broadcast_in_dim3A_456] : memref<1024xf32, #tpu.memory_space<vmem>>[vector<16xi32>], vector<16xf32>,
      %gather3A_460 = tpu.vector_load_idx %arg11[%broadcast_in_dim3A_456] : memref<1024xf32, #tpu.memory_space<vmem>>[vector<16xi32>], vector<16xf32>,
      %mul3A_461 = arith.mulf %get3A_278, %gather3A_457 : vector<16xf32>
      %add3A_462 = arith.addf %gather3A_460, %mul3A_461 : vector<16xf32>
      %mul3A_463 = arith.mulf %get3A_280, %gather3A_458 : vector<16xf32>
      %mul3A_464 = arith.mulf %get3A_282, %gather3A_459 : vector<16xf32>
      %add3A_465 = arith.addf %mul3A_463, %mul3A_464 : vector<16xf32>
      %add3A_466 = arith.addf %add3A_462, %add3A_465 : vector<16xf32>
      %min3A_467 = arith.minimumf %min3A, %add3A_466 : vector<16xf32>
      %max3A_468 = arith.maximumf %min3A, %add3A_466 : vector<16xf32>
      %min3A_469 = arith.minimumf %min3A_445, %max3A_468 : vector<16xf32>
      %max3A_470 = arith.maximumf %min3A_445, %add3A_466 : vector<16xf32>
      %min3A_471 = arith.minimumf %min3A_447, %max3A_470 : vector<16xf32>
      %max3A_472 = arith.maximumf %min3A_447, %add3A_466 : vector<16xf32>
      %min3A_473 = arith.minimumf %min3A_449, %max3A_472 : vector<16xf32>
      %max3A_474 = arith.maximumf %min3A_449, %add3A_466 : vector<16xf32>
      %min3A_475 = arith.minimumf %min3A_451, %max3A_474 : vector<16xf32>
      scf.yield %min3A_467, %min3A_469, %min3A_471, %min3A_473, %min3A_475 : vector<16xf32>, vector<16xf32>, vector<16xf32>, vector<16xf32>, vector<16xf32>
    }
    %scan3A_303 = arith.constant 512 : i32
    %add3A_304 = arith.addf %scan3A_302#0, %scan3A_302#1 : vector<16xf32>
    %add3A_305 = arith.addf %add3A_304, %scan3A_302#2 : vector<16xf32>
    %add3A_306 = arith.addf %add3A_305, %scan3A_302#3 : vector<16xf32>
    %add3A_307 = arith.addf %add3A_306, %scan3A_302#4 : vector<16xf32>
    %mul3A_308 = arith.constant 5.000000e+00 : f32
    %mul3A_309 = vector.broadcast %mul3A_308 : f32 to vector<16xf32>
    %mul3A_310 = arith.mulf %mul3A_309, %add3A_287 : vector<16xf32>
    %add3A_311 = arith.addf %add3A_307, %mul3A_310 : vector<16xf32>
    %swap3A_312 = arith.constant 64 : index
    %swap3A_313 = tpu.vector_load %arg12[%swap3A_312] {strides = array<i32>} : memref<128xf32, #tpu.memory_space<vmem>>, vector<16xf32>,
    tpu.vector_store %arg12[%swap3A_312], %add3A_311 {strides = array<i32>} : memref<128xf32, #tpu.memory_space<vmem>>, vector<16xf32>,
    %get3A_314 = arith.constant 80 : index
    %get3A_315 = tpu.vector_load %arg5[%get3A_314] {strides = array<i32>} : memref<128xf32, #tpu.memory_space<vmem>>, vector<16xf32>,
    %get3A_316 = arith.constant 80 : index
    %get3A_317 = tpu.vector_load %arg6[%get3A_316] {strides = array<i32>} : memref<128xf32, #tpu.memory_space<vmem>>, vector<16xf32>,
    %get3A_318 = arith.constant 80 : index
    %get3A_319 = tpu.vector_load %arg7[%get3A_318] {strides = array<i32>} : memref<128xf32, #tpu.memory_space<vmem>>, vector<16xf32>,
    %mul3A_320 = arith.mulf %get3A_315, %get3A_315 : vector<16xf32>
    %mul3A_321 = arith.mulf %get3A_317, %get3A_317 : vector<16xf32>
    %add3A_322 = arith.addf %mul3A_320, %mul3A_321 : vector<16xf32>
    %mul3A_323 = arith.mulf %get3A_319, %get3A_319 : vector<16xf32>
    %add3A_324 = arith.addf %add3A_322, %mul3A_323 : vector<16xf32>
    %broadcast_in_dim3A_325 = arith.constant 3.000000e+38 : f32
    %broadcast_in_dim3A_326 = vector.broadcast %broadcast_in_dim3A_325 : f32 to vector<16xf32>
    %broadcast_in_dim3A_327 = arith.constant 3.000000e+38 : f32
    %broadcast_in_dim3A_328 = vector.broadcast %broadcast_in_dim3A_327 : f32 to vector<16xf32>
    %broadcast_in_dim3A_329 = arith.constant 3.000000e+38 : f32
    %broadcast_in_dim3A_330 = vector.broadcast %broadcast_in_dim3A_329 : f32 to vector<16xf32>
    %broadcast_in_dim3A_331 = arith.constant 3.000000e+38 : f32
    %broadcast_in_dim3A_332 = vector.broadcast %broadcast_in_dim3A_331 : f32 to vector<16xf32>
    %broadcast_in_dim3A_333 = arith.constant 3.000000e+38 : f32
    %broadcast_in_dim3A_334 = vector.broadcast %broadcast_in_dim3A_333 : f32 to vector<16xf32>
    %scan3A_335 = arith.constant 0 : i32
    %scan3A_336 = arith.constant 512 : i32
    %scan3A_337 = arith.addi %scan3A_335, %scan3A_336 : i32
    %scan3A_338 = arith.constant 1 : i32
    %scan3A_339:5 = scf.for %scan3A_425 = %scan3A_335 to %scan3A_337 step %scan3A_338 iter_args(%scan3A_426 = %broadcast_in_dim3A_326, %scan3A_427 = %broadcast_in_dim3A_328, %scan3A_428 = %broadcast_in_dim3A_330, %scan3A_429 = %broadcast_in_dim3A_332, %scan3A_430 = %broadcast_in_dim3A_334) -> (vector<16xf32>, vector<16xf32>, vector<16xf32>, vector<16xf32>, vector<16xf32>)  : i32 {
      %mul3A_431 = arith.constant 2 : i32
      %mul3A_432 = arith.muli %scan3A_425, %mul3A_431 : i32
      %add3A_433 = arith.constant 0 : i32
      %add3A_434 = arith.addi %mul3A_432, %add3A_433 : i32
      %broadcast_in_dim3A_435 = vector.broadcast %add3A_434 : i32 to vector<16xi32>
      %gather3A = tpu.vector_load_idx %arg8[%broadcast_in_dim3A_435] : memref<1024xf32, #tpu.memory_space<vmem>>[vector<16xi32>], vector<16xf32>,
      %gather3A_436 = tpu.vector_load_idx %arg9[%broadcast_in_dim3A_435] : memref<1024xf32, #tpu.memory_space<vmem>>[vector<16xi32>], vector<16xf32>,
      %gather3A_437 = tpu.vector_load_idx %arg10[%broadcast_in_dim3A_435] : memref<1024xf32, #tpu.memory_space<vmem>>[vector<16xi32>], vector<16xf32>,
      %gather3A_438 = tpu.vector_load_idx %arg11[%broadcast_in_dim3A_435] : memref<1024xf32, #tpu.memory_space<vmem>>[vector<16xi32>], vector<16xf32>,
      %mul3A_439 = arith.mulf %get3A_315, %gather3A : vector<16xf32>
      %add3A_440 = arith.addf %gather3A_438, %mul3A_439 : vector<16xf32>
      %mul3A_441 = arith.mulf %get3A_317, %gather3A_436 : vector<16xf32>
      %mul3A_442 = arith.mulf %get3A_319, %gather3A_437 : vector<16xf32>
      %add3A_443 = arith.addf %mul3A_441, %mul3A_442 : vector<16xf32>
      %add3A_444 = arith.addf %add3A_440, %add3A_443 : vector<16xf32>
      %min3A = arith.minimumf %scan3A_426, %add3A_444 : vector<16xf32>
      %max3A = arith.maximumf %scan3A_426, %add3A_444 : vector<16xf32>
      %min3A_445 = arith.minimumf %scan3A_427, %max3A : vector<16xf32>
      %max3A_446 = arith.maximumf %scan3A_427, %add3A_444 : vector<16xf32>
      %min3A_447 = arith.minimumf %scan3A_428, %max3A_446 : vector<16xf32>
      %max3A_448 = arith.maximumf %scan3A_428, %add3A_444 : vector<16xf32>
      %min3A_449 = arith.minimumf %scan3A_429, %max3A_448 : vector<16xf32>
      %max3A_450 = arith.maximumf %scan3A_429, %add3A_444 : vector<16xf32>
      %min3A_451 = arith.minimumf %scan3A_430, %max3A_450 : vector<16xf32>
      %mul3A_452 = arith.constant 2 : i32
      %mul3A_453 = arith.muli %scan3A_425, %mul3A_452 : i32
      %add3A_454 = arith.constant 1 : i32
      %add3A_455 = arith.addi %mul3A_453, %add3A_454 : i32
      %broadcast_in_dim3A_456 = vector.broadcast %add3A_455 : i32 to vector<16xi32>
      %gather3A_457 = tpu.vector_load_idx %arg8[%broadcast_in_dim3A_456] : memref<1024xf32, #tpu.memory_space<vmem>>[vector<16xi32>], vector<16xf32>,
      %gather3A_458 = tpu.vector_load_idx %arg9[%broadcast_in_dim3A_456] : memref<1024xf32, #tpu.memory_space<vmem>>[vector<16xi32>], vector<16xf32>,
      %gather3A_459 = tpu.vector_load_idx %arg10[%broadcast_in_dim3A_456] : memref<1024xf32, #tpu.memory_space<vmem>>[vector<16xi32>], vector<16xf32>,
      %gather3A_460 = tpu.vector_load_idx %arg11[%broadcast_in_dim3A_456] : memref<1024xf32, #tpu.memory_space<vmem>>[vector<16xi32>], vector<16xf32>,
      %mul3A_461 = arith.mulf %get3A_315, %gather3A_457 : vector<16xf32>
      %add3A_462 = arith.addf %gather3A_460, %mul3A_461 : vector<16xf32>
      %mul3A_463 = arith.mulf %get3A_317, %gather3A_458 : vector<16xf32>
      %mul3A_464 = arith.mulf %get3A_319, %gather3A_459 : vector<16xf32>
      %add3A_465 = arith.addf %mul3A_463, %mul3A_464 : vector<16xf32>
      %add3A_466 = arith.addf %add3A_462, %add3A_465 : vector<16xf32>
      %min3A_467 = arith.minimumf %min3A, %add3A_466 : vector<16xf32>
      %max3A_468 = arith.maximumf %min3A, %add3A_466 : vector<16xf32>
      %min3A_469 = arith.minimumf %min3A_445, %max3A_468 : vector<16xf32>
      %max3A_470 = arith.maximumf %min3A_445, %add3A_466 : vector<16xf32>
      %min3A_471 = arith.minimumf %min3A_447, %max3A_470 : vector<16xf32>
      %max3A_472 = arith.maximumf %min3A_447, %add3A_466 : vector<16xf32>
      %min3A_473 = arith.minimumf %min3A_449, %max3A_472 : vector<16xf32>
      %max3A_474 = arith.maximumf %min3A_449, %add3A_466 : vector<16xf32>
      %min3A_475 = arith.minimumf %min3A_451, %max3A_474 : vector<16xf32>
      scf.yield %min3A_467, %min3A_469, %min3A_471, %min3A_473, %min3A_475 : vector<16xf32>, vector<16xf32>, vector<16xf32>, vector<16xf32>, vector<16xf32>
    }
    %scan3A_340 = arith.constant 512 : i32
    %add3A_341 = arith.addf %scan3A_339#0, %scan3A_339#1 : vector<16xf32>
    %add3A_342 = arith.addf %add3A_341, %scan3A_339#2 : vector<16xf32>
    %add3A_343 = arith.addf %add3A_342, %scan3A_339#3 : vector<16xf32>
    %add3A_344 = arith.addf %add3A_343, %scan3A_339#4 : vector<16xf32>
    %mul3A_345 = arith.constant 5.000000e+00 : f32
    %mul3A_346 = vector.broadcast %mul3A_345 : f32 to vector<16xf32>
    %mul3A_347 = arith.mulf %mul3A_346, %add3A_324 : vector<16xf32>
    %add3A_348 = arith.addf %add3A_344, %mul3A_347 : vector<16xf32>
    %swap3A_349 = arith.constant 80 : index
    %swap3A_350 = tpu.vector_load %arg12[%swap3A_349] {strides = array<i32>} : memref<128xf32, #tpu.memory_space<vmem>>, vector<16xf32>,
    tpu.vector_store %arg12[%swap3A_349], %add3A_348 {strides = array<i32>} : memref<128xf32, #tpu.memory_space<vmem>>, vector<16xf32>,
    %get3A_351 = arith.constant 96 : index
    %get3A_352 = tpu.vector_load %arg5[%get3A_351] {strides = array<i32>} : memref<128xf32, #tpu.memory_space<vmem>>, vector<16xf32>,
    %get3A_353 = arith.constant 96 : index
    %get3A_354 = tpu.vector_load %arg6[%get3A_353] {strides = array<i32>} : memref<128xf32, #tpu.memory_space<vmem>>, vector<16xf32>,
    %get3A_355 = arith.constant 96 : index
    %get3A_356 = tpu.vector_load %arg7[%get3A_355] {strides = array<i32>} : memref<128xf32, #tpu.memory_space<vmem>>, vector<16xf32>,
    %mul3A_357 = arith.mulf %get3A_352, %get3A_352 : vector<16xf32>
    %mul3A_358 = arith.mulf %get3A_354, %get3A_354 : vector<16xf32>
    %add3A_359 = arith.addf %mul3A_357, %mul3A_358 : vector<16xf32>
    %mul3A_360 = arith.mulf %get3A_356, %get3A_356 : vector<16xf32>
    %add3A_361 = arith.addf %add3A_359, %mul3A_360 : vector<16xf32>
    %broadcast_in_dim3A_362 = arith.constant 3.000000e+38 : f32
    %broadcast_in_dim3A_363 = vector.broadcast %broadcast_in_dim3A_362 : f32 to vector<16xf32>
    %broadcast_in_dim3A_364 = arith.constant 3.000000e+38 : f32
    %broadcast_in_dim3A_365 = vector.broadcast %broadcast_in_dim3A_364 : f32 to vector<16xf32>
    %broadcast_in_dim3A_366 = arith.constant 3.000000e+38 : f32
    %broadcast_in_dim3A_367 = vector.broadcast %broadcast_in_dim3A_366 : f32 to vector<16xf32>
    %broadcast_in_dim3A_368 = arith.constant 3.000000e+38 : f32
    %broadcast_in_dim3A_369 = vector.broadcast %broadcast_in_dim3A_368 : f32 to vector<16xf32>
    %broadcast_in_dim3A_370 = arith.constant 3.000000e+38 : f32
    %broadcast_in_dim3A_371 = vector.broadcast %broadcast_in_dim3A_370 : f32 to vector<16xf32>
    %scan3A_372 = arith.constant 0 : i32
    %scan3A_373 = arith.constant 512 : i32
    %scan3A_374 = arith.addi %scan3A_372, %scan3A_373 : i32
    %scan3A_375 = arith.constant 1 : i32
    %scan3A_376:5 = scf.for %scan3A_425 = %scan3A_372 to %scan3A_374 step %scan3A_375 iter_args(%scan3A_426 = %broadcast_in_dim3A_363, %scan3A_427 = %broadcast_in_dim3A_365, %scan3A_428 = %broadcast_in_dim3A_367, %scan3A_429 = %broadcast_in_dim3A_369, %scan3A_430 = %broadcast_in_dim3A_371) -> (vector<16xf32>, vector<16xf32>, vector<16xf32>, vector<16xf32>, vector<16xf32>)  : i32 {
      %mul3A_431 = arith.constant 2 : i32
      %mul3A_432 = arith.muli %scan3A_425, %mul3A_431 : i32
      %add3A_433 = arith.constant 0 : i32
      %add3A_434 = arith.addi %mul3A_432, %add3A_433 : i32
      %broadcast_in_dim3A_435 = vector.broadcast %add3A_434 : i32 to vector<16xi32>
      %gather3A = tpu.vector_load_idx %arg8[%broadcast_in_dim3A_435] : memref<1024xf32, #tpu.memory_space<vmem>>[vector<16xi32>], vector<16xf32>,
      %gather3A_436 = tpu.vector_load_idx %arg9[%broadcast_in_dim3A_435] : memref<1024xf32, #tpu.memory_space<vmem>>[vector<16xi32>], vector<16xf32>,
      %gather3A_437 = tpu.vector_load_idx %arg10[%broadcast_in_dim3A_435] : memref<1024xf32, #tpu.memory_space<vmem>>[vector<16xi32>], vector<16xf32>,
      %gather3A_438 = tpu.vector_load_idx %arg11[%broadcast_in_dim3A_435] : memref<1024xf32, #tpu.memory_space<vmem>>[vector<16xi32>], vector<16xf32>,
      %mul3A_439 = arith.mulf %get3A_352, %gather3A : vector<16xf32>
      %add3A_440 = arith.addf %gather3A_438, %mul3A_439 : vector<16xf32>
      %mul3A_441 = arith.mulf %get3A_354, %gather3A_436 : vector<16xf32>
      %mul3A_442 = arith.mulf %get3A_356, %gather3A_437 : vector<16xf32>
      %add3A_443 = arith.addf %mul3A_441, %mul3A_442 : vector<16xf32>
      %add3A_444 = arith.addf %add3A_440, %add3A_443 : vector<16xf32>
      %min3A = arith.minimumf %scan3A_426, %add3A_444 : vector<16xf32>
      %max3A = arith.maximumf %scan3A_426, %add3A_444 : vector<16xf32>
      %min3A_445 = arith.minimumf %scan3A_427, %max3A : vector<16xf32>
      %max3A_446 = arith.maximumf %scan3A_427, %add3A_444 : vector<16xf32>
      %min3A_447 = arith.minimumf %scan3A_428, %max3A_446 : vector<16xf32>
      %max3A_448 = arith.maximumf %scan3A_428, %add3A_444 : vector<16xf32>
      %min3A_449 = arith.minimumf %scan3A_429, %max3A_448 : vector<16xf32>
      %max3A_450 = arith.maximumf %scan3A_429, %add3A_444 : vector<16xf32>
      %min3A_451 = arith.minimumf %scan3A_430, %max3A_450 : vector<16xf32>
      %mul3A_452 = arith.constant 2 : i32
      %mul3A_453 = arith.muli %scan3A_425, %mul3A_452 : i32
      %add3A_454 = arith.constant 1 : i32
      %add3A_455 = arith.addi %mul3A_453, %add3A_454 : i32
      %broadcast_in_dim3A_456 = vector.broadcast %add3A_455 : i32 to vector<16xi32>
      %gather3A_457 = tpu.vector_load_idx %arg8[%broadcast_in_dim3A_456] : memref<1024xf32, #tpu.memory_space<vmem>>[vector<16xi32>], vector<16xf32>,
      %gather3A_458 = tpu.vector_load_idx %arg9[%broadcast_in_dim3A_456] : memref<1024xf32, #tpu.memory_space<vmem>>[vector<16xi32>], vector<16xf32>,
      %gather3A_459 = tpu.vector_load_idx %arg10[%broadcast_in_dim3A_456] : memref<1024xf32, #tpu.memory_space<vmem>>[vector<16xi32>], vector<16xf32>,
      %gather3A_460 = tpu.vector_load_idx %arg11[%broadcast_in_dim3A_456] : memref<1024xf32, #tpu.memory_space<vmem>>[vector<16xi32>], vector<16xf32>,
      %mul3A_461 = arith.mulf %get3A_352, %gather3A_457 : vector<16xf32>
      %add3A_462 = arith.addf %gather3A_460, %mul3A_461 : vector<16xf32>
      %mul3A_463 = arith.mulf %get3A_354, %gather3A_458 : vector<16xf32>
      %mul3A_464 = arith.mulf %get3A_356, %gather3A_459 : vector<16xf32>
      %add3A_465 = arith.addf %mul3A_463, %mul3A_464 : vector<16xf32>
      %add3A_466 = arith.addf %add3A_462, %add3A_465 : vector<16xf32>
      %min3A_467 = arith.minimumf %min3A, %add3A_466 : vector<16xf32>
      %max3A_468 = arith.maximumf %min3A, %add3A_466 : vector<16xf32>
      %min3A_469 = arith.minimumf %min3A_445, %max3A_468 : vector<16xf32>
      %max3A_470 = arith.maximumf %min3A_445, %add3A_466 : vector<16xf32>
      %min3A_471 = arith.minimumf %min3A_447, %max3A_470 : vector<16xf32>
      %max3A_472 = arith.maximumf %min3A_447, %add3A_466 : vector<16xf32>
      %min3A_473 = arith.minimumf %min3A_449, %max3A_472 : vector<16xf32>
      %max3A_474 = arith.maximumf %min3A_449, %add3A_466 : vector<16xf32>
      %min3A_475 = arith.minimumf %min3A_451, %max3A_474 : vector<16xf32>
      scf.yield %min3A_467, %min3A_469, %min3A_471, %min3A_473, %min3A_475 : vector<16xf32>, vector<16xf32>, vector<16xf32>, vector<16xf32>, vector<16xf32>
    }
    %scan3A_377 = arith.constant 512 : i32
    %add3A_378 = arith.addf %scan3A_376#0, %scan3A_376#1 : vector<16xf32>
    %add3A_379 = arith.addf %add3A_378, %scan3A_376#2 : vector<16xf32>
    %add3A_380 = arith.addf %add3A_379, %scan3A_376#3 : vector<16xf32>
    %add3A_381 = arith.addf %add3A_380, %scan3A_376#4 : vector<16xf32>
    %mul3A_382 = arith.constant 5.000000e+00 : f32
    %mul3A_383 = vector.broadcast %mul3A_382 : f32 to vector<16xf32>
    %mul3A_384 = arith.mulf %mul3A_383, %add3A_361 : vector<16xf32>
    %add3A_385 = arith.addf %add3A_381, %mul3A_384 : vector<16xf32>
    %swap3A_386 = arith.constant 96 : index
    %swap3A_387 = tpu.vector_load %arg12[%swap3A_386] {strides = array<i32>} : memref<128xf32, #tpu.memory_space<vmem>>, vector<16xf32>,
    tpu.vector_store %arg12[%swap3A_386], %add3A_385 {strides = array<i32>} : memref<128xf32, #tpu.memory_space<vmem>>, vector<16xf32>,
    %get3A_388 = arith.constant 112 : index
    %get3A_389 = tpu.vector_load %arg5[%get3A_388] {strides = array<i32>} : memref<128xf32, #tpu.memory_space<vmem>>, vector<16xf32>,
    %get3A_390 = arith.constant 112 : index
    %get3A_391 = tpu.vector_load %arg6[%get3A_390] {strides = array<i32>} : memref<128xf32, #tpu.memory_space<vmem>>, vector<16xf32>,
    %get3A_392 = arith.constant 112 : index
    %get3A_393 = tpu.vector_load %arg7[%get3A_392] {strides = array<i32>} : memref<128xf32, #tpu.memory_space<vmem>>, vector<16xf32>,
    %mul3A_394 = arith.mulf %get3A_389, %get3A_389 : vector<16xf32>
    %mul3A_395 = arith.mulf %get3A_391, %get3A_391 : vector<16xf32>
    %add3A_396 = arith.addf %mul3A_394, %mul3A_395 : vector<16xf32>
    %mul3A_397 = arith.mulf %get3A_393, %get3A_393 : vector<16xf32>
    %add3A_398 = arith.addf %add3A_396, %mul3A_397 : vector<16xf32>
    %broadcast_in_dim3A_399 = arith.constant 3.000000e+38 : f32
    %broadcast_in_dim3A_400 = vector.broadcast %broadcast_in_dim3A_399 : f32 to vector<16xf32>
    %broadcast_in_dim3A_401 = arith.constant 3.000000e+38 : f32
    %broadcast_in_dim3A_402 = vector.broadcast %broadcast_in_dim3A_401 : f32 to vector<16xf32>
    %broadcast_in_dim3A_403 = arith.constant 3.000000e+38 : f32
    %broadcast_in_dim3A_404 = vector.broadcast %broadcast_in_dim3A_403 : f32 to vector<16xf32>
    %broadcast_in_dim3A_405 = arith.constant 3.000000e+38 : f32
    %broadcast_in_dim3A_406 = vector.broadcast %broadcast_in_dim3A_405 : f32 to vector<16xf32>
    %broadcast_in_dim3A_407 = arith.constant 3.000000e+38 : f32
    %broadcast_in_dim3A_408 = vector.broadcast %broadcast_in_dim3A_407 : f32 to vector<16xf32>
    %scan3A_409 = arith.constant 0 : i32
    %scan3A_410 = arith.constant 512 : i32
    %scan3A_411 = arith.addi %scan3A_409, %scan3A_410 : i32
    %scan3A_412 = arith.constant 1 : i32
    %scan3A_413:5 = scf.for %scan3A_425 = %scan3A_409 to %scan3A_411 step %scan3A_412 iter_args(%scan3A_426 = %broadcast_in_dim3A_400, %scan3A_427 = %broadcast_in_dim3A_402, %scan3A_428 = %broadcast_in_dim3A_404, %scan3A_429 = %broadcast_in_dim3A_406, %scan3A_430 = %broadcast_in_dim3A_408) -> (vector<16xf32>, vector<16xf32>, vector<16xf32>, vector<16xf32>, vector<16xf32>)  : i32 {
      %mul3A_431 = arith.constant 2 : i32
      %mul3A_432 = arith.muli %scan3A_425, %mul3A_431 : i32
      %add3A_433 = arith.constant 0 : i32
      %add3A_434 = arith.addi %mul3A_432, %add3A_433 : i32
      %broadcast_in_dim3A_435 = vector.broadcast %add3A_434 : i32 to vector<16xi32>
      %gather3A = tpu.vector_load_idx %arg8[%broadcast_in_dim3A_435] : memref<1024xf32, #tpu.memory_space<vmem>>[vector<16xi32>], vector<16xf32>,
      %gather3A_436 = tpu.vector_load_idx %arg9[%broadcast_in_dim3A_435] : memref<1024xf32, #tpu.memory_space<vmem>>[vector<16xi32>], vector<16xf32>,
      %gather3A_437 = tpu.vector_load_idx %arg10[%broadcast_in_dim3A_435] : memref<1024xf32, #tpu.memory_space<vmem>>[vector<16xi32>], vector<16xf32>,
      %gather3A_438 = tpu.vector_load_idx %arg11[%broadcast_in_dim3A_435] : memref<1024xf32, #tpu.memory_space<vmem>>[vector<16xi32>], vector<16xf32>,
      %mul3A_439 = arith.mulf %get3A_389, %gather3A : vector<16xf32>
      %add3A_440 = arith.addf %gather3A_438, %mul3A_439 : vector<16xf32>
      %mul3A_441 = arith.mulf %get3A_391, %gather3A_436 : vector<16xf32>
      %mul3A_442 = arith.mulf %get3A_393, %gather3A_437 : vector<16xf32>
      %add3A_443 = arith.addf %mul3A_441, %mul3A_442 : vector<16xf32>
      %add3A_444 = arith.addf %add3A_440, %add3A_443 : vector<16xf32>
      %min3A = arith.minimumf %scan3A_426, %add3A_444 : vector<16xf32>
      %max3A = arith.maximumf %scan3A_426, %add3A_444 : vector<16xf32>
      %min3A_445 = arith.minimumf %scan3A_427, %max3A : vector<16xf32>
      %max3A_446 = arith.maximumf %scan3A_427, %add3A_444 : vector<16xf32>
      %min3A_447 = arith.minimumf %scan3A_428, %max3A_446 : vector<16xf32>
      %max3A_448 = arith.maximumf %scan3A_428, %add3A_444 : vector<16xf32>
      %min3A_449 = arith.minimumf %scan3A_429, %max3A_448 : vector<16xf32>
      %max3A_450 = arith.maximumf %scan3A_429, %add3A_444 : vector<16xf32>
      %min3A_451 = arith.minimumf %scan3A_430, %max3A_450 : vector<16xf32>
      %mul3A_452 = arith.constant 2 : i32
      %mul3A_453 = arith.muli %scan3A_425, %mul3A_452 : i32
      %add3A_454 = arith.constant 1 : i32
      %add3A_455 = arith.addi %mul3A_453, %add3A_454 : i32
      %broadcast_in_dim3A_456 = vector.broadcast %add3A_455 : i32 to vector<16xi32>
      %gather3A_457 = tpu.vector_load_idx %arg8[%broadcast_in_dim3A_456] : memref<1024xf32, #tpu.memory_space<vmem>>[vector<16xi32>], vector<16xf32>,
      %gather3A_458 = tpu.vector_load_idx %arg9[%broadcast_in_dim3A_456] : memref<1024xf32, #tpu.memory_space<vmem>>[vector<16xi32>], vector<16xf32>,
      %gather3A_459 = tpu.vector_load_idx %arg10[%broadcast_in_dim3A_456] : memref<1024xf32, #tpu.memory_space<vmem>>[vector<16xi32>], vector<16xf32>,
      %gather3A_460 = tpu.vector_load_idx %arg11[%broadcast_in_dim3A_456] : memref<1024xf32, #tpu.memory_space<vmem>>[vector<16xi32>], vector<16xf32>,
      %mul3A_461 = arith.mulf %get3A_389, %gather3A_457 : vector<16xf32>
      %add3A_462 = arith.addf %gather3A_460, %mul3A_461 : vector<16xf32>
      %mul3A_463 = arith.mulf %get3A_391, %gather3A_458 : vector<16xf32>
      %mul3A_464 = arith.mulf %get3A_393, %gather3A_459 : vector<16xf32>
      %add3A_465 = arith.addf %mul3A_463, %mul3A_464 : vector<16xf32>
      %add3A_466 = arith.addf %add3A_462, %add3A_465 : vector<16xf32>
      %min3A_467 = arith.minimumf %min3A, %add3A_466 : vector<16xf32>
      %max3A_468 = arith.maximumf %min3A, %add3A_466 : vector<16xf32>
      %min3A_469 = arith.minimumf %min3A_445, %max3A_468 : vector<16xf32>
      %max3A_470 = arith.maximumf %min3A_445, %add3A_466 : vector<16xf32>
      %min3A_471 = arith.minimumf %min3A_447, %max3A_470 : vector<16xf32>
      %max3A_472 = arith.maximumf %min3A_447, %add3A_466 : vector<16xf32>
      %min3A_473 = arith.minimumf %min3A_449, %max3A_472 : vector<16xf32>
      %max3A_474 = arith.maximumf %min3A_449, %add3A_466 : vector<16xf32>
      %min3A_475 = arith.minimumf %min3A_451, %max3A_474 : vector<16xf32>
      scf.yield %min3A_467, %min3A_469, %min3A_471, %min3A_473, %min3A_475 : vector<16xf32>, vector<16xf32>, vector<16xf32>, vector<16xf32>, vector<16xf32>
    }
    %scan3A_414 = arith.constant 512 : i32
    %add3A_415 = arith.addf %scan3A_413#0, %scan3A_413#1 : vector<16xf32>
    %add3A_416 = arith.addf %add3A_415, %scan3A_413#2 : vector<16xf32>
    %add3A_417 = arith.addf %add3A_416, %scan3A_413#3 : vector<16xf32>
    %add3A_418 = arith.addf %add3A_417, %scan3A_413#4 : vector<16xf32>
    %mul3A_419 = arith.constant 5.000000e+00 : f32
    %mul3A_420 = vector.broadcast %mul3A_419 : f32 to vector<16xf32>
    %mul3A_421 = arith.mulf %mul3A_420, %add3A_398 : vector<16xf32>
    %add3A_422 = arith.addf %add3A_418, %mul3A_421 : vector<16xf32>
    %swap3A_423 = arith.constant 112 : index
    %swap3A_424 = tpu.vector_load %arg12[%swap3A_423] {strides = array<i32>} : memref<128xf32, #tpu.memory_space<vmem>>, vector<16xf32>,
    tpu.vector_store %arg12[%swap3A_423], %add3A_422 {strides = array<i32>} : memref<128xf32, #tpu.memory_space<vmem>>, vector<16xf32>,
    %run_scoped3A = arith.constant 0 : i32
    "tpu.region"() ({
      %run_scoped3A_425 = tpu.sem_alloc : memref<!tpu.dma_semaphore, #tpu.memory_space<semaphore_mem>>
      %dma_start3A_426 = arith.constant 0 : i32
      %dma_start3A_427 = tpu.memref_slice %arg4[%add3A, %run_scoped3A, %dma_start3A_426] : memref<32x1x128xf32, #tpu.memory_space<hbm>> -> memref<1x1x128xf32, #tpu.memory_space<hbm>>
      %dma_start3A_428 = tpu.memref_squeeze %dma_start3A_427 : memref<1x1x128xf32, #tpu.memory_space<hbm>> -> memref<128xf32, #tpu.memory_space<hbm>>
      %dma_start3A_429 = arith.constant 0 : i32
      %dma_start3A_430 = tpu.memref_slice %arg4[%add3A, %run_scoped3A, %dma_start3A_429] : memref<32x1x128xf32, #tpu.memory_space<hbm>> -> memref<1x1x128xf32, #tpu.memory_space<hbm>>
      %dma_start3A_431 = tpu.memref_squeeze %dma_start3A_430 : memref<1x1x128xf32, #tpu.memory_space<hbm>> -> memref<128xf32, #tpu.memory_space<hbm>>
      tpu.enqueue_dma source(%arg12 : memref<128xf32, #tpu.memory_space<vmem>>) target(%dma_start3A_431 : memref<128xf32, #tpu.memory_space<hbm>>) target_semaphore(%run_scoped3A_425 : memref<!tpu.dma_semaphore, #tpu.memory_space<semaphore_mem>>)
      %dma_wait3A_432 = arith.constant 0 : i32
      %dma_wait3A_433 = tpu.memref_slice %arg4[%add3A, %run_scoped3A, %dma_wait3A_432] : memref<32x1x128xf32, #tpu.memory_space<hbm>> -> memref<1x1x128xf32, #tpu.memory_space<hbm>>
      %dma_wait3A_434 = tpu.memref_squeeze %dma_wait3A_433 : memref<1x1x128xf32, #tpu.memory_space<hbm>> -> memref<128xf32, #tpu.memory_space<hbm>>
      %dma_wait3A_435 = arith.constant 0 : i32
      %dma_wait3A_436 = tpu.memref_slice %arg4[%add3A, %run_scoped3A, %dma_wait3A_435] : memref<32x1x128xf32, #tpu.memory_space<hbm>> -> memref<1x1x128xf32, #tpu.memory_space<hbm>>
      %dma_wait3A_437 = tpu.memref_squeeze %dma_wait3A_436 : memref<1x1x128xf32, #tpu.memory_space<hbm>> -> memref<128xf32, #tpu.memory_space<hbm>>
      tpu.wait_dma2 semaphore(%run_scoped3A_425 : memref<!tpu.dma_semaphore, #tpu.memory_space<semaphore_mem>>) src(%arg12 : memref<128xf32, #tpu.memory_space<vmem>>) dst(%dma_wait3A_437 : memref<128xf32, #tpu.memory_space<hbm>>)
      tpu.yield
    }) : () -> ()
    return
  }
}

module attributes {stable_mosaic.version = 14 : i64} {
  func.func @_tc_body(%arg0: i32, %arg1: i32, %arg2: memref<1x3x2048xf32, #tpu.memory_space<vmem>>, %arg3: memref<1x3x2048xf32, #tpu.memory_space<vmem>>, %arg4: memref<1x3x3xf32, #tpu.memory_space<vmem>>, %arg5: memref<1x3x1xf32, #tpu.memory_space<vmem>>, %arg6: memref<1x3x3xf32, #tpu.memory_space<vmem>>, %arg7: memref<1x3x1xf32, #tpu.memory_space<vmem>>, %arg8: memref<1x3x2048xf32, #tpu.memory_space<vmem>>, %arg9: memref<1x3x2048xf32, #tpu.memory_space<vmem>>, %arg10: memref<1x3x2048xf32, #tpu.memory_space<vmem>>, %arg11: memref<1x3x2048xf32, #tpu.memory_space<vmem>>, %arg12: memref<1x1x128xf32, #tpu.memory_space<vmem>>) attributes {dimension_semantics = [#tpu.dimension_semantics<arbitrary>, #tpu.dimension_semantics<arbitrary>], iteration_bounds = array<i64: 2, 1>, scalar_prefetch = 0 : i64, scratch_operands = 0 : i64, tpu.core_type = #tpu.core_type<tc>, window_params = [{transform_indices = @transform_0, window_bounds = array<i64: 1, 3, 2048>}, {transform_indices = @transform_1, window_bounds = array<i64: 1, 3, 2048>}, {transform_indices = @transform_2, window_bounds = array<i64: 1, 3, 3>}, {transform_indices = @transform_3, window_bounds = array<i64: 1, 3, 1>}, {transform_indices = @transform_4, window_bounds = array<i64: 1, 3, 3>}, {transform_indices = @transform_5, window_bounds = array<i64: 1, 3, 1>}, {transform_indices = @transform_6, window_bounds = array<i64: 1, 3, 2048>}, {transform_indices = @transform_7, window_bounds = array<i64: 1, 3, 2048>}, {transform_indices = @transform_8, window_bounds = array<i64: 1, 3, 2048>}, {transform_indices = @transform_9, window_bounds = array<i64: 1, 3, 2048>}, {transform_indices = @transform_10, window_bounds = array<i64: 1, 1, 128>}]} {
    %get3A = arith.constant 0 : index
    %get3A_0 = arith.constant 0 : index
    %get3A_1 = arith.constant 0 : index
    %get3A_2 = vector.load %arg2[%get3A, %get3A_0, %get3A_1] : memref<1x3x2048xf32, #tpu.memory_space<vmem>>, vector<1x3x2048xf32>
    %get3A_3 = vector.shape_cast %get3A_2 : vector<1x3x2048xf32> to vector<3x2048xf32>
    %get3A_4 = arith.constant 0 : index
    %get3A_5 = arith.constant 0 : index
    %get3A_6 = arith.constant 0 : index
    %get3A_7 = vector.load %arg3[%get3A_4, %get3A_5, %get3A_6] : memref<1x3x2048xf32, #tpu.memory_space<vmem>>, vector<1x3x2048xf32>
    %get3A_8 = vector.shape_cast %get3A_7 : vector<1x3x2048xf32> to vector<3x2048xf32>
    %get3A_9 = arith.constant 0 : index
    %get3A_10 = arith.constant 0 : index
    %get3A_11 = arith.constant 0 : index
    %get3A_12 = vector.load %arg4[%get3A_9, %get3A_10, %get3A_11] : memref<1x3x3xf32, #tpu.memory_space<vmem>>, vector<1x3x3xf32>
    %get3A_13 = vector.shape_cast %get3A_12 : vector<1x3x3xf32> to vector<3x3xf32>
    %get3A_14 = arith.constant 0 : index
    %get3A_15 = arith.constant 0 : index
    %get3A_16 = arith.constant 0 : index
    %get3A_17 = vector.load %arg5[%get3A_14, %get3A_15, %get3A_16] : memref<1x3x1xf32, #tpu.memory_space<vmem>>, vector<1x3x1xf32>
    %get3A_18 = vector.shape_cast %get3A_17 : vector<1x3x1xf32> to vector<3x1xf32>
    %get3A_19 = arith.constant 0 : index
    %get3A_20 = arith.constant 0 : index
    %get3A_21 = arith.constant 0 : index
    %get3A_22 = vector.load %arg6[%get3A_19, %get3A_20, %get3A_21] : memref<1x3x3xf32, #tpu.memory_space<vmem>>, vector<1x3x3xf32>
    %get3A_23 = vector.shape_cast %get3A_22 : vector<1x3x3xf32> to vector<3x3xf32>
    %get3A_24 = arith.constant 0 : index
    %get3A_25 = arith.constant 0 : index
    %get3A_26 = arith.constant 0 : index
    %get3A_27 = vector.load %arg7[%get3A_24, %get3A_25, %get3A_26] : memref<1x3x1xf32, #tpu.memory_space<vmem>>, vector<1x3x1xf32>
    %get3A_28 = vector.shape_cast %get3A_27 : vector<1x3x1xf32> to vector<3x1xf32>
    %get3A_29 = arith.constant 0 : index
    %get3A_30 = arith.constant 0 : index
    %get3A_31 = arith.constant 0 : index
    %get3A_32 = vector.load %arg8[%get3A_29, %get3A_30, %get3A_31] : memref<1x3x2048xf32, #tpu.memory_space<vmem>>, vector<1x3x2048xf32>
    %get3A_33 = vector.shape_cast %get3A_32 : vector<1x3x2048xf32> to vector<3x2048xf32>
    %get3A_34 = arith.constant 0 : index
    %get3A_35 = arith.constant 0 : index
    %get3A_36 = arith.constant 0 : index
    %get3A_37 = vector.load %arg9[%get3A_34, %get3A_35, %get3A_36] : memref<1x3x2048xf32, #tpu.memory_space<vmem>>, vector<1x3x2048xf32>
    %get3A_38 = vector.shape_cast %get3A_37 : vector<1x3x2048xf32> to vector<3x2048xf32>
    %get3A_39 = arith.constant 0 : index
    %get3A_40 = arith.constant 0 : index
    %get3A_41 = arith.constant 0 : index
    %get3A_42 = vector.load %arg10[%get3A_39, %get3A_40, %get3A_41] : memref<1x3x2048xf32, #tpu.memory_space<vmem>>, vector<1x3x2048xf32>
    %get3A_43 = vector.shape_cast %get3A_42 : vector<1x3x2048xf32> to vector<3x2048xf32>
    %get3A_44 = arith.constant 0 : index
    %get3A_45 = arith.constant 0 : index
    %get3A_46 = arith.constant 0 : index
    %get3A_47 = vector.load %arg11[%get3A_44, %get3A_45, %get3A_46] : memref<1x3x2048xf32, #tpu.memory_space<vmem>>, vector<1x3x2048xf32>
    %get3A_48 = vector.shape_cast %get3A_47 : vector<1x3x2048xf32> to vector<3x2048xf32>
    %dot_general3A = arith.constant dense<0.000000e+00> : vector<3x2048xf32>
    %dot_general3A_49 = tpu.matmul %get3A_13, %get3A_3, %dot_general3A {dimension_numbers = #tpu.dot_dimension_numbers<[1], [0], [0], [1], [0, 0, 1, 1], [], []>, transpose_lhs_hint = false} : vector<3x3xf32>, vector<3x2048xf32>, vector<3x2048xf32> -> vector<3x2048xf32>
    %add3A = vector.broadcast %get3A_18 : vector<3x1xf32> to vector<3x2048xf32>
    %add3A_50 = arith.addf %dot_general3A_49, %add3A : vector<3x2048xf32>
    %dot_general3A_51 = arith.constant dense<0.000000e+00> : vector<3x2048xf32>
    %dot_general3A_52 = tpu.matmul %get3A_13, %get3A_8, %dot_general3A_51 {dimension_numbers = #tpu.dot_dimension_numbers<[1], [0], [0], [1], [0, 0, 1, 1], [], []>, transpose_lhs_hint = false} : vector<3x3xf32>, vector<3x2048xf32>, vector<3x2048xf32> -> vector<3x2048xf32>
    %add3A_53 = vector.broadcast %get3A_18 : vector<3x1xf32> to vector<3x2048xf32>
    %add3A_54 = arith.addf %dot_general3A_52, %add3A_53 : vector<3x2048xf32>
    %mul3A = arith.mulf %add3A_50, %add3A_50 : vector<3x2048xf32>
    %reduce_sum3A = arith.constant dense<0.000000e+00> : vector<2048xf32>
    %reduce_sum3A_55 = vector.multi_reduction <add>, %mul3A, %reduce_sum3A [0] : vector<3x2048xf32> to vector<2048xf32>
    %broadcast_in_dim3A = vector.shape_cast %reduce_sum3A_55 : vector<2048xf32> to vector<1x2048xf32>
    %mul3A_56 = arith.mulf %add3A_54, %add3A_54 : vector<3x2048xf32>
    %reduce_sum3A_57 = arith.constant dense<0.000000e+00> : vector<2048xf32>
    %reduce_sum3A_58 = vector.multi_reduction <add>, %mul3A_56, %reduce_sum3A_57 [0] : vector<3x2048xf32> to vector<2048xf32>
    %broadcast_in_dim3A_59 = vector.shape_cast %reduce_sum3A_58 : vector<2048xf32> to vector<1x2048xf32>
    %broadcast_in_dim3A_60 = arith.constant 1.000000e+00 : f32
    %broadcast_in_dim3A_61 = vector.broadcast %broadcast_in_dim3A_60 : f32 to vector<1x2048xf32>
    %broadcast_in_dim3A_62 = arith.constant 1.000000e+00 : f32
    %broadcast_in_dim3A_63 = vector.broadcast %broadcast_in_dim3A_62 : f32 to vector<1x2048xf32>
    %mul3A_64 = arith.constant -2.000000e+00 : f32
    %mul3A_65 = vector.broadcast %mul3A_64 : f32 to vector<3x2048xf32>
    %mul3A_66 = arith.mulf %mul3A_65, %add3A_50 : vector<3x2048xf32>
    %concatenate3A = tpu.concatenate %mul3A_66, %broadcast_in_dim3A, %broadcast_in_dim3A_61 in 0 : vector<3x2048xf32>, vector<1x2048xf32>, vector<1x2048xf32> -> vector<5x2048xf32>
    %concatenate3A_67 = tpu.concatenate %add3A_54, %broadcast_in_dim3A_63, %broadcast_in_dim3A_59 in 0 : vector<3x2048xf32>, vector<1x2048xf32>, vector<1x2048xf32> -> vector<5x2048xf32>
    %dot_general3A_68 = arith.constant dense<0.000000e+00> : vector<2048x2048xf32>
    %dot_general3A_69 = tpu.matmul %concatenate3A, %concatenate3A_67, %dot_general3A_68 {dimension_numbers = #tpu.dot_dimension_numbers<[0], [0], [1], [1], [0, 1, 1, 1], [], []>, transpose_lhs_hint = false} : vector<5x2048xf32>, vector<5x2048xf32>, vector<2048x2048xf32> -> vector<2048x2048xf32>
    %mul3A_70 = arith.constant 2048 : i32
    %mul3A_71 = arith.muli %arg1, %mul3A_70 : i32
    %iota3A = tpu.iota {dimensions = array<i32: 0>} : vector<2048x2048xi32>
    %add3A_72 = vector.broadcast %mul3A_71 : i32 to vector<2048x2048xi32>
    %add3A_73 = arith.addi %add3A_72, %iota3A : vector<2048x2048xi32>
    %iota3A_74 = tpu.iota {dimensions = array<i32: 1>} : vector<2048x2048xi32>
    %eq3A = arith.cmpi eq, %add3A_73, %iota3A_74 : vector<2048x2048xi32>
    %jit3A = arith.constant 9.99999968E+37 : f32
    %broadcast_in_dim3A_75 = vector.broadcast %jit3A : f32 to vector<2048x2048xf32>
    %select_n3A = arith.select %eq3A, %broadcast_in_dim3A_75, %dot_general3A_69 : vector<2048x2048xi1>, vector<2048x2048xf32>
    %reduce_min3A = arith.constant dense<0x7F800000> : vector<2048xf32>
    %reduce_min3A_76 = vector.multi_reduction <minimumf>, %select_n3A, %reduce_min3A [1] : vector<2048x2048xf32> to vector<2048xf32>
    %broadcast_in_dim3A_77 = vector.shape_cast %reduce_min3A_76 : vector<2048xf32> to vector<2048x1xf32>
    %le3A = vector.broadcast %broadcast_in_dim3A_77 : vector<2048x1xf32> to vector<2048x2048xf32>
    %le3A_78 = arith.cmpf ole, %select_n3A, %le3A : vector<2048x2048xf32>
    %jit3A_79 = arith.constant 3.000000e+38 : f32
    %broadcast_in_dim3A_80 = vector.broadcast %jit3A_79 : f32 to vector<2048x2048xf32>
    %select_n3A_81 = arith.select %le3A_78, %broadcast_in_dim3A_80, %select_n3A : vector<2048x2048xi1>, vector<2048x2048xf32>
    %reduce_min3A_82 = arith.constant dense<0x7F800000> : vector<2048xf32>
    %reduce_min3A_83 = vector.multi_reduction <minimumf>, %select_n3A_81, %reduce_min3A_82 [1] : vector<2048x2048xf32> to vector<2048xf32>
    %broadcast_in_dim3A_84 = vector.shape_cast %reduce_min3A_83 : vector<2048xf32> to vector<2048x1xf32>
    %le3A_85 = vector.broadcast %broadcast_in_dim3A_84 : vector<2048x1xf32> to vector<2048x2048xf32>
    %le3A_86 = arith.cmpf ole, %select_n3A, %le3A_85 : vector<2048x2048xf32>
    %jit3A_87 = arith.constant 3.000000e+38 : f32
    %broadcast_in_dim3A_88 = vector.broadcast %jit3A_87 : f32 to vector<2048x2048xf32>
    %select_n3A_89 = arith.select %le3A_86, %broadcast_in_dim3A_88, %select_n3A : vector<2048x2048xi1>, vector<2048x2048xf32>
    %reduce_min3A_90 = arith.constant dense<0x7F800000> : vector<2048xf32>
    %reduce_min3A_91 = vector.multi_reduction <minimumf>, %select_n3A_89, %reduce_min3A_90 [1] : vector<2048x2048xf32> to vector<2048xf32>
    %broadcast_in_dim3A_92 = vector.shape_cast %reduce_min3A_91 : vector<2048xf32> to vector<2048x1xf32>
    %le3A_93 = vector.broadcast %broadcast_in_dim3A_92 : vector<2048x1xf32> to vector<2048x2048xf32>
    %le3A_94 = arith.cmpf ole, %select_n3A, %le3A_93 : vector<2048x2048xf32>
    %jit3A_95 = arith.constant 3.000000e+38 : f32
    %broadcast_in_dim3A_96 = vector.broadcast %jit3A_95 : f32 to vector<2048x2048xf32>
    %select_n3A_97 = arith.select %le3A_94, %broadcast_in_dim3A_96, %select_n3A : vector<2048x2048xi1>, vector<2048x2048xf32>
    %reduce_min3A_98 = arith.constant dense<0x7F800000> : vector<2048xf32>
    %reduce_min3A_99 = vector.multi_reduction <minimumf>, %select_n3A_97, %reduce_min3A_98 [1] : vector<2048x2048xf32> to vector<2048xf32>
    %broadcast_in_dim3A_100 = vector.shape_cast %reduce_min3A_99 : vector<2048xf32> to vector<2048x1xf32>
    %le3A_101 = vector.broadcast %broadcast_in_dim3A_100 : vector<2048x1xf32> to vector<2048x2048xf32>
    %le3A_102 = arith.cmpf ole, %select_n3A, %le3A_101 : vector<2048x2048xf32>
    %jit3A_103 = arith.constant 3.000000e+38 : f32
    %broadcast_in_dim3A_104 = vector.broadcast %jit3A_103 : f32 to vector<2048x2048xf32>
    %select_n3A_105 = arith.select %le3A_102, %broadcast_in_dim3A_104, %select_n3A : vector<2048x2048xi1>, vector<2048x2048xf32>
    %reduce_min3A_106 = arith.constant dense<0x7F800000> : vector<2048xf32>
    %reduce_min3A_107 = vector.multi_reduction <minimumf>, %select_n3A_105, %reduce_min3A_106 [1] : vector<2048x2048xf32> to vector<2048xf32>
    %broadcast_in_dim3A_108 = vector.shape_cast %reduce_min3A_107 : vector<2048xf32> to vector<2048x1xf32>
    %le3A_109 = vector.broadcast %broadcast_in_dim3A_108 : vector<2048x1xf32> to vector<2048x2048xf32>
    %le3A_110 = arith.cmpf ole, %select_n3A, %le3A_109 : vector<2048x2048xf32>
    %jit3A_111 = arith.constant 1.000000e+00 : f32
    %jit3A_112 = arith.constant 0.000000e+00 : f32
    %broadcast_in_dim3A_113 = vector.broadcast %jit3A_111 : f32 to vector<2048x2048xf32>
    %broadcast_in_dim3A_114 = vector.broadcast %jit3A_112 : f32 to vector<2048x2048xf32>
    %select_n3A_115 = arith.select %le3A_110, %broadcast_in_dim3A_113, %broadcast_in_dim3A_114 : vector<2048x2048xi1>, vector<2048x2048xf32>
    %sub3A = arith.subf %get3A_38, %add3A_54 : vector<3x2048xf32>
    %mul3A_116 = arith.mulf %sub3A, %sub3A : vector<3x2048xf32>
    %reduce_sum3A_117 = arith.constant dense<0.000000e+00> : vector<2048xf32>
    %reduce_sum3A_118 = vector.multi_reduction <add>, %mul3A_116, %reduce_sum3A_117 [0] : vector<3x2048xf32> to vector<2048xf32>
    %broadcast_in_dim3A_119 = vector.shape_cast %reduce_sum3A_118 : vector<2048xf32> to vector<1x2048xf32>
    %concatenate3A_120 = tpu.concatenate %sub3A, %broadcast_in_dim3A_119, %get3A_48 in 0 : vector<3x2048xf32>, vector<1x2048xf32>, vector<3x2048xf32> -> vector<7x2048xf32>
    %dot_general3A_121 = arith.constant dense<0.000000e+00> : vector<2048x7xf32>
    %dot_general3A_122 = tpu.matmul %select_n3A_115, %concatenate3A_120, %dot_general3A_121 {dimension_numbers = #tpu.dot_dimension_numbers<[1], [1], [0], [0], [0, 0, 1, 0], [], []>, transpose_lhs_hint = false} : vector<2048x2048xf32>, vector<7x2048xf32>, vector<2048x7xf32> -> vector<2048x7xf32>
    %slice3A = vector.extract_strided_slice %dot_general3A_122 {offsets = [0, 0], sizes = [2048, 3], strides = [1, 1]} : vector<2048x7xf32> to vector<2048x3xf32>
    %slice3A_123 = vector.extract_strided_slice %dot_general3A_122 {offsets = [0, 3], sizes = [2048, 1], strides = [1, 1]} : vector<2048x7xf32> to vector<2048x1xf32>
    %slice3A_124 = vector.extract_strided_slice %dot_general3A_122 {offsets = [0, 4], sizes = [2048, 3], strides = [1, 1]} : vector<2048x7xf32> to vector<2048x3xf32>
    %sub3A_125 = arith.subf %get3A_33, %add3A_50 : vector<3x2048xf32>
    %reduce_sum3A_126 = vector.shape_cast %slice3A_123 : vector<2048x1xf32> to vector<1x2048x1xf32>
    %reduce_sum3A_127 = arith.constant dense<0.000000e+00> : vector<1xf32>
    %reduce_sum3A_128 = vector.multi_reduction <add>, %reduce_sum3A_126, %reduce_sum3A_127 [1, 2] : vector<1x2048x1xf32> to vector<1xf32>
    %reduce_sum3A_129 = vector.shape_cast %reduce_sum3A_128 : vector<1xf32> to vector<1x1x1xf32>
    %reduce_sum3A_130 = vector.extract %reduce_sum3A_129[0, 0, 0] : f32 from vector<1x1x1xf32>
    %dot_general3A_131 = arith.constant dense<0.000000e+00> : vector<3x3xf32>
    %dot_general3A_132 = tpu.matmul %sub3A_125, %slice3A, %dot_general3A_131 {dimension_numbers = #tpu.dot_dimension_numbers<[1], [0], [0], [1], [0, 0, 1, 1], [], []>, transpose_lhs_hint = false} : vector<3x2048xf32>, vector<2048x3xf32>, vector<3x3xf32> -> vector<3x3xf32>
    %iota3A_133 = tpu.iota {dimensions = array<i32: 0>} : vector<3x3xi32>
    %iota3A_134 = tpu.iota {dimensions = array<i32: 1>} : vector<3x3xi32>
    %eq3A_135 = arith.cmpi eq, %iota3A_133, %iota3A_134 : vector<3x3xi32>
    %jit3A_136 = arith.constant 0.000000e+00 : f32
    %broadcast_in_dim3A_137 = vector.broadcast %jit3A_136 : f32 to vector<3x3xf32>
    %select_n3A_138 = arith.select %eq3A_135, %dot_general3A_132, %broadcast_in_dim3A_137 : vector<3x3xi1>, vector<3x3xf32>
    %reduce_sum3A_139 = vector.shape_cast %select_n3A_138 : vector<3x3xf32> to vector<1x3x3xf32>
    %reduce_sum3A_140 = arith.constant dense<0.000000e+00> : vector<1xf32>
    %reduce_sum3A_141 = vector.multi_reduction <add>, %reduce_sum3A_139, %reduce_sum3A_140 [1, 2] : vector<1x3x3xf32> to vector<1xf32>
    %reduce_sum3A_142 = vector.shape_cast %reduce_sum3A_141 : vector<1xf32> to vector<1x1x1xf32>
    %reduce_sum3A_143 = vector.extract %reduce_sum3A_142[0, 0, 0] : f32 from vector<1x1x1xf32>
    %mul3A_144 = arith.constant 2.000000e+00 : f32
    %mul3A_145 = arith.mulf %mul3A_144, %reduce_sum3A_143 : f32
    %sub3A_146 = arith.subf %reduce_sum3A_130, %mul3A_145 : f32
    %mul3A_147 = arith.mulf %sub3A_125, %sub3A_125 : vector<3x2048xf32>
    %reduce_sum3A_148 = vector.shape_cast %mul3A_147 : vector<3x2048xf32> to vector<1x3x2048xf32>
    %reduce_sum3A_149 = arith.constant dense<0.000000e+00> : vector<1xf32>
    %reduce_sum3A_150 = vector.multi_reduction <add>, %reduce_sum3A_148, %reduce_sum3A_149 [1, 2] : vector<1x3x2048xf32> to vector<1xf32>
    %reduce_sum3A_151 = vector.shape_cast %reduce_sum3A_150 : vector<1xf32> to vector<1x1x1xf32>
    %reduce_sum3A_152 = vector.extract %reduce_sum3A_151[0, 0, 0] : f32 from vector<1x1x1xf32>
    %mul3A_153 = arith.constant 5.000000e+00 : f32
    %mul3A_154 = arith.mulf %mul3A_153, %reduce_sum3A_152 : f32
    %add3A_155 = arith.addf %sub3A_146, %mul3A_154 : f32
    %mul3A_156 = arith.mulf %get3A_43, %get3A_43 : vector<3x2048xf32>
    %reduce_sum3A_157 = vector.shape_cast %mul3A_156 : vector<3x2048xf32> to vector<1x3x2048xf32>
    %reduce_sum3A_158 = arith.constant dense<0.000000e+00> : vector<1xf32>
    %reduce_sum3A_159 = vector.multi_reduction <add>, %reduce_sum3A_157, %reduce_sum3A_158 [1, 2] : vector<1x3x2048xf32> to vector<1xf32>
    %reduce_sum3A_160 = vector.shape_cast %reduce_sum3A_159 : vector<1xf32> to vector<1x1x1xf32>
    %reduce_sum3A_161 = vector.extract %reduce_sum3A_160[0, 0, 0] : f32 from vector<1x1x1xf32>
    %dot_general3A_162 = arith.constant dense<0.000000e+00> : vector<3x3xf32>
    %dot_general3A_163 = tpu.matmul %get3A_43, %slice3A_124, %dot_general3A_162 {dimension_numbers = #tpu.dot_dimension_numbers<[1], [0], [0], [1], [0, 0, 1, 1], [], []>, transpose_lhs_hint = false} : vector<3x2048xf32>, vector<2048x3xf32>, vector<3x3xf32> -> vector<3x3xf32>
    %iota3A_164 = tpu.iota {dimensions = array<i32: 0>} : vector<3x3xi32>
    %iota3A_165 = tpu.iota {dimensions = array<i32: 1>} : vector<3x3xi32>
    %eq3A_166 = arith.cmpi eq, %iota3A_164, %iota3A_165 : vector<3x3xi32>
    %jit3A_167 = arith.constant 0.000000e+00 : f32
    %broadcast_in_dim3A_168 = vector.broadcast %jit3A_167 : f32 to vector<3x3xf32>
    %select_n3A_169 = arith.select %eq3A_166, %dot_general3A_163, %broadcast_in_dim3A_168 : vector<3x3xi1>, vector<3x3xf32>
    %reduce_sum3A_170 = vector.shape_cast %select_n3A_169 : vector<3x3xf32> to vector<1x3x3xf32>
    %reduce_sum3A_171 = arith.constant dense<0.000000e+00> : vector<1xf32>
    %reduce_sum3A_172 = vector.multi_reduction <add>, %reduce_sum3A_170, %reduce_sum3A_171 [1, 2] : vector<1x3x3xf32> to vector<1xf32>
    %reduce_sum3A_173 = vector.shape_cast %reduce_sum3A_172 : vector<1xf32> to vector<1x1x1xf32>
    %reduce_sum3A_174 = vector.extract %reduce_sum3A_173[0, 0, 0] : f32 from vector<1x1x1xf32>
    %mul3A_175 = arith.constant 4.000000e-01 : f32
    %mul3A_176 = arith.mulf %mul3A_175, %reduce_sum3A_174 : f32
    %sub3A_177 = arith.subf %reduce_sum3A_161, %mul3A_176 : f32
    %mul3A_178 = arith.mulf %slice3A_124, %slice3A_124 : vector<2048x3xf32>
    %reduce_sum3A_179 = vector.shape_cast %mul3A_178 : vector<2048x3xf32> to vector<1x2048x3xf32>
    %reduce_sum3A_180 = arith.constant dense<0.000000e+00> : vector<1xf32>
    %reduce_sum3A_181 = vector.multi_reduction <add>, %reduce_sum3A_179, %reduce_sum3A_180 [1, 2] : vector<1x2048x3xf32> to vector<1xf32>
    %reduce_sum3A_182 = vector.shape_cast %reduce_sum3A_181 : vector<1xf32> to vector<1x1x1xf32>
    %reduce_sum3A_183 = vector.extract %reduce_sum3A_182[0, 0, 0] : f32 from vector<1x1x1xf32>
    %mul3A_184 = arith.constant 4.000000e-02 : f32
    %mul3A_185 = arith.mulf %mul3A_184, %reduce_sum3A_183 : f32
    %add3A_186 = arith.addf %sub3A_177, %mul3A_185 : f32
    %sub3A_187 = arith.subf %get3A_13, %get3A_23 : vector<3x3xf32>
    %dot_general3A_188 = arith.constant dense<0.000000e+00> : vector<3x2048xf32>
    %dot_general3A_189 = tpu.matmul %sub3A_187, %get3A_3, %dot_general3A_188 {dimension_numbers = #tpu.dot_dimension_numbers<[1], [0], [0], [1], [0, 0, 1, 1], [], []>, transpose_lhs_hint = false} : vector<3x3xf32>, vector<3x2048xf32>, vector<3x2048xf32> -> vector<3x2048xf32>
    %sub3A_190 = arith.subf %get3A_18, %get3A_28 : vector<3x1xf32>
    %add3A_191 = vector.broadcast %sub3A_190 : vector<3x1xf32> to vector<3x2048xf32>
    %add3A_192 = arith.addf %dot_general3A_189, %add3A_191 : vector<3x2048xf32>
    %mul3A_193 = arith.mulf %add3A_192, %add3A_192 : vector<3x2048xf32>
    %reduce_sum3A_194 = vector.shape_cast %mul3A_193 : vector<3x2048xf32> to vector<1x3x2048xf32>
    %reduce_sum3A_195 = arith.constant dense<0.000000e+00> : vector<1xf32>
    %reduce_sum3A_196 = vector.multi_reduction <add>, %reduce_sum3A_194, %reduce_sum3A_195 [1, 2] : vector<1x3x2048xf32> to vector<1xf32>
    %reduce_sum3A_197 = vector.shape_cast %reduce_sum3A_196 : vector<1xf32> to vector<1x1x1xf32>
    %reduce_sum3A_198 = vector.extract %reduce_sum3A_197[0, 0, 0] : f32 from vector<1x1x1xf32>
    %dot_general3A_199 = arith.constant dense<0.000000e+00> : vector<3x3xf32>
    %dot_general3A_200 = tpu.matmul %get3A_13, %get3A_23, %dot_general3A_199 {dimension_numbers = #tpu.dot_dimension_numbers<[0], [0], [1], [1], [0, 1, 1, 1], [], []>, transpose_lhs_hint = false} : vector<3x3xf32>, vector<3x3xf32>, vector<3x3xf32> -> vector<3x3xf32>
    %iota3A_201 = tpu.iota {dimensions = array<i32: 0>} : vector<3x3xi32>
    %iota3A_202 = tpu.iota {dimensions = array<i32: 1>} : vector<3x3xi32>
    %eq3A_203 = arith.cmpi eq, %iota3A_201, %iota3A_202 : vector<3x3xi32>
    %jit3A_204 = arith.constant 0.000000e+00 : f32
    %broadcast_in_dim3A_205 = vector.broadcast %jit3A_204 : f32 to vector<3x3xf32>
    %select_n3A_206 = arith.select %eq3A_203, %dot_general3A_200, %broadcast_in_dim3A_205 : vector<3x3xi1>, vector<3x3xf32>
    %reduce_sum3A_207 = vector.shape_cast %select_n3A_206 : vector<3x3xf32> to vector<1x3x3xf32>
    %reduce_sum3A_208 = arith.constant dense<0.000000e+00> : vector<1xf32>
    %reduce_sum3A_209 = vector.multi_reduction <add>, %reduce_sum3A_207, %reduce_sum3A_208 [1, 2] : vector<1x3x3xf32> to vector<1xf32>
    %reduce_sum3A_210 = vector.shape_cast %reduce_sum3A_209 : vector<1xf32> to vector<1x1x1xf32>
    %reduce_sum3A_211 = vector.extract %reduce_sum3A_210[0, 0, 0] : f32 from vector<1x1x1xf32>
    %sub3A_212 = arith.subf %get3A_18, %get3A_28 : vector<3x1xf32>
    %mul3A_213 = arith.mulf %sub3A_212, %sub3A_212 : vector<3x1xf32>
    %reduce_sum3A_214 = vector.shape_cast %mul3A_213 : vector<3x1xf32> to vector<1x3x1xf32>
    %reduce_sum3A_215 = arith.constant dense<0.000000e+00> : vector<1xf32>
    %reduce_sum3A_216 = vector.multi_reduction <add>, %reduce_sum3A_214, %reduce_sum3A_215 [1, 2] : vector<1x3x1xf32> to vector<1xf32>
    %reduce_sum3A_217 = vector.shape_cast %reduce_sum3A_216 : vector<1xf32> to vector<1x1x1xf32>
    %reduce_sum3A_218 = vector.extract %reduce_sum3A_217[0, 0, 0] : f32 from vector<1x1x1xf32>
    %eq3A_219 = arith.constant 0 : i32
    %eq3A_220 = arith.cmpi eq, %arg1, %eq3A_219 : i32
    %jit3A_221 = arith.constant 1.000000e+00 : f32
    %jit3A_222 = arith.constant 0.000000e+00 : f32
    %select_n3A_223 = arith.select %eq3A_220, %jit3A_221, %jit3A_222 : f32
    %iota3A_224 = tpu.iota {dimensions = array<i32: 2>} : vector<1x1x128xi32>
    %eq3A_225 = arith.constant 1 : i32
    %eq3A_226 = vector.broadcast %eq3A_225 : i32 to vector<1x1x128xi32>
    %eq3A_227 = arith.cmpi eq, %iota3A_224, %eq3A_226 : vector<1x1x128xi32>
    %jit3A_228 = arith.constant 0.000000e+00 : f32
    %broadcast_in_dim3A_229 = vector.broadcast %add3A_155 : f32 to vector<1x1x128xf32>
    %broadcast_in_dim3A_230 = vector.broadcast %jit3A_228 : f32 to vector<1x1x128xf32>
    %select_n3A_231 = arith.select %eq3A_227, %broadcast_in_dim3A_229, %broadcast_in_dim3A_230 : vector<1x1x128xi1>, vector<1x1x128xf32>
    %eq3A_232 = arith.constant 2 : i32
    %eq3A_233 = vector.broadcast %eq3A_232 : i32 to vector<1x1x128xi32>
    %eq3A_234 = arith.cmpi eq, %iota3A_224, %eq3A_233 : vector<1x1x128xi32>
    %jit3A_235 = arith.constant 0.000000e+00 : f32
    %broadcast_in_dim3A_236 = vector.broadcast %add3A_186 : f32 to vector<1x1x128xf32>
    %broadcast_in_dim3A_237 = vector.broadcast %jit3A_235 : f32 to vector<1x1x128xf32>
    %select_n3A_238 = arith.select %eq3A_234, %broadcast_in_dim3A_236, %broadcast_in_dim3A_237 : vector<1x1x128xi1>, vector<1x1x128xf32>
    %add3A_239 = arith.addf %select_n3A_231, %select_n3A_238 : vector<1x1x128xf32>
    %eq3A_240 = arith.constant 3 : i32
    %eq3A_241 = vector.broadcast %eq3A_240 : i32 to vector<1x1x128xi32>
    %eq3A_242 = arith.cmpi eq, %iota3A_224, %eq3A_241 : vector<1x1x128xi32>
    %jit3A_243 = arith.constant 0.000000e+00 : f32
    %broadcast_in_dim3A_244 = vector.broadcast %reduce_sum3A_161 : f32 to vector<1x1x128xf32>
    %broadcast_in_dim3A_245 = vector.broadcast %jit3A_243 : f32 to vector<1x1x128xf32>
    %select_n3A_246 = arith.select %eq3A_242, %broadcast_in_dim3A_244, %broadcast_in_dim3A_245 : vector<1x1x128xi1>, vector<1x1x128xf32>
    %add3A_247 = arith.addf %add3A_239, %select_n3A_246 : vector<1x1x128xf32>
    %eq3A_248 = arith.constant 4 : i32
    %eq3A_249 = vector.broadcast %eq3A_248 : i32 to vector<1x1x128xi32>
    %eq3A_250 = arith.cmpi eq, %iota3A_224, %eq3A_249 : vector<1x1x128xi32>
    %jit3A_251 = arith.constant 0.000000e+00 : f32
    %broadcast_in_dim3A_252 = vector.broadcast %reduce_sum3A_198 : f32 to vector<1x1x128xf32>
    %broadcast_in_dim3A_253 = vector.broadcast %jit3A_251 : f32 to vector<1x1x128xf32>
    %select_n3A_254 = arith.select %eq3A_250, %broadcast_in_dim3A_252, %broadcast_in_dim3A_253 : vector<1x1x128xi1>, vector<1x1x128xf32>
    %add3A_255 = arith.addf %add3A_247, %select_n3A_254 : vector<1x1x128xf32>
    %eq3A_256 = arith.constant 5 : i32
    %eq3A_257 = vector.broadcast %eq3A_256 : i32 to vector<1x1x128xi32>
    %eq3A_258 = arith.cmpi eq, %iota3A_224, %eq3A_257 : vector<1x1x128xi32>
    %mul3A_259 = arith.mulf %select_n3A_223, %reduce_sum3A_211 : f32
    %jit3A_260 = arith.constant 0.000000e+00 : f32
    %broadcast_in_dim3A_261 = vector.broadcast %mul3A_259 : f32 to vector<1x1x128xf32>
    %broadcast_in_dim3A_262 = vector.broadcast %jit3A_260 : f32 to vector<1x1x128xf32>
    %select_n3A_263 = arith.select %eq3A_258, %broadcast_in_dim3A_261, %broadcast_in_dim3A_262 : vector<1x1x128xi1>, vector<1x1x128xf32>
    %add3A_264 = arith.addf %add3A_255, %select_n3A_263 : vector<1x1x128xf32>
    %eq3A_265 = arith.constant 6 : i32
    %eq3A_266 = vector.broadcast %eq3A_265 : i32 to vector<1x1x128xi32>
    %eq3A_267 = arith.cmpi eq, %iota3A_224, %eq3A_266 : vector<1x1x128xi32>
    %mul3A_268 = arith.mulf %select_n3A_223, %reduce_sum3A_218 : f32
    %jit3A_269 = arith.constant 0.000000e+00 : f32
    %broadcast_in_dim3A_270 = vector.broadcast %mul3A_268 : f32 to vector<1x1x128xf32>
    %broadcast_in_dim3A_271 = vector.broadcast %jit3A_269 : f32 to vector<1x1x128xf32>
    %select_n3A_272 = arith.select %eq3A_267, %broadcast_in_dim3A_270, %broadcast_in_dim3A_271 : vector<1x1x128xi1>, vector<1x1x128xf32>
    %add3A_273 = arith.addf %add3A_264, %select_n3A_272 : vector<1x1x128xf32>
    %eq3A_274 = arith.constant 0 : i32
    %eq3A_275 = arith.cmpi eq, %arg1, %eq3A_274 : i32
    %convert_element_type3A = arith.extui %eq3A_275 : i1 to i32
    %cond3A = arith.constant 0 : i32
    %cond3A_276 = arith.cmpi ne, %convert_element_type3A, %cond3A : i32
    scf.if %cond3A_276 {
      %broadcast_in_dim3A_285 = arith.constant 0.000000e+00 : f32
      %broadcast_in_dim3A_286 = vector.broadcast %broadcast_in_dim3A_285 : f32 to vector<1x1x128xf32>
      %swap3A_287 = arith.constant 0 : index
      %swap3A_288 = arith.constant 0 : index
      %swap3A_289 = arith.constant 0 : index
      %swap3A_290 = vector.load %arg12[%swap3A_287, %swap3A_288, %swap3A_289] : memref<1x1x128xf32, #tpu.memory_space<vmem>>, vector<1x1x128xf32>
      tpu.vector_store %arg12[%swap3A_287, %swap3A_288, %swap3A_289], %broadcast_in_dim3A_286 {strides = array<i32>} : memref<1x1x128xf32, #tpu.memory_space<vmem>>, vector<1x1x128xf32>,
    } else {
    }
    %get3A_277 = arith.constant 0 : index
    %get3A_278 = arith.constant 0 : index
    %get3A_279 = arith.constant 0 : index
    %get3A_280 = vector.load %arg12[%get3A_277, %get3A_278, %get3A_279] : memref<1x1x128xf32, #tpu.memory_space<vmem>>, vector<1x1x128xf32>
    %add3A_281 = arith.addf %get3A_280, %add3A_273 : vector<1x1x128xf32>
    %swap3A = arith.constant 0 : index
    %swap3A_282 = arith.constant 0 : index
    %swap3A_283 = arith.constant 0 : index
    %swap3A_284 = vector.load %arg12[%swap3A, %swap3A_282, %swap3A_283] : memref<1x1x128xf32, #tpu.memory_space<vmem>>, vector<1x1x128xf32>
    tpu.vector_store %arg12[%swap3A, %swap3A_282, %swap3A_283], %add3A_281 {strides = array<i32>} : memref<1x1x128xf32, #tpu.memory_space<vmem>>, vector<1x1x128xf32>,
    return
  }
  func.func @transform_0(%arg0: i32, %arg1: i32) -> (i32, i32, i32) {
    %c0_i32 = arith.constant 0 : i32
    %c0_i32_0 = arith.constant 0 : i32
    return %arg0, %c0_i32, %arg1 : i32, i32, i32
  }
  func.func @transform_1(%arg0: i32, %arg1: i32) -> (i32, i32, i32) {
    %c0_i32 = arith.constant 0 : i32
    %c0_i32_0 = arith.constant 0 : i32
    %c0_i32_1 = arith.constant 0 : i32
    return %arg0, %c0_i32, %c0_i32_0 : i32, i32, i32
  }
  func.func @transform_2(%arg0: i32, %arg1: i32) -> (i32, i32, i32) {
    %c0_i32 = arith.constant 0 : i32
    %c0_i32_0 = arith.constant 0 : i32
    %c0_i32_1 = arith.constant 0 : i32
    return %arg0, %c0_i32, %c0_i32_0 : i32, i32, i32
  }
  func.func @transform_3(%arg0: i32, %arg1: i32) -> (i32, i32, i32) {
    %c0_i32 = arith.constant 0 : i32
    %c0_i32_0 = arith.constant 0 : i32
    %c0_i32_1 = arith.constant 0 : i32
    return %arg0, %c0_i32, %c0_i32_0 : i32, i32, i32
  }
  func.func @transform_4(%arg0: i32, %arg1: i32) -> (i32, i32, i32) {
    %c0_i32 = arith.constant 0 : i32
    %c0_i32_0 = arith.constant 0 : i32
    %c0_i32_1 = arith.constant 0 : i32
    return %arg0, %c0_i32, %c0_i32_0 : i32, i32, i32
  }
  func.func @transform_5(%arg0: i32, %arg1: i32) -> (i32, i32, i32) {
    %c0_i32 = arith.constant 0 : i32
    %c0_i32_0 = arith.constant 0 : i32
    %c0_i32_1 = arith.constant 0 : i32
    return %arg0, %c0_i32, %c0_i32_0 : i32, i32, i32
  }
  func.func @transform_6(%arg0: i32, %arg1: i32) -> (i32, i32, i32) {
    %c0_i32 = arith.constant 0 : i32
    %c0_i32_0 = arith.constant 0 : i32
    return %arg0, %c0_i32, %arg1 : i32, i32, i32
  }
  func.func @transform_7(%arg0: i32, %arg1: i32) -> (i32, i32, i32) {
    %c0_i32 = arith.constant 0 : i32
    %c0_i32_0 = arith.constant 0 : i32
    %c0_i32_1 = arith.constant 0 : i32
    return %arg0, %c0_i32, %c0_i32_0 : i32, i32, i32
  }
  func.func @transform_8(%arg0: i32, %arg1: i32) -> (i32, i32, i32) {
    %c0_i32 = arith.constant 0 : i32
    %c0_i32_0 = arith.constant 0 : i32
    return %arg0, %c0_i32, %arg1 : i32, i32, i32
  }
  func.func @transform_9(%arg0: i32, %arg1: i32) -> (i32, i32, i32) {
    %c0_i32 = arith.constant 0 : i32
    %c0_i32_0 = arith.constant 0 : i32
    %c0_i32_1 = arith.constant 0 : i32
    return %arg0, %c0_i32, %c0_i32_0 : i32, i32, i32
  }
  func.func @transform_10(%arg0: i32, %arg1: i32) -> (i32, i32, i32) {
    %c0_i32 = arith.constant 0 : i32
    %c0_i32_0 = arith.constant 0 : i32
    %c0_i32_1 = arith.constant 0 : i32
    return %arg0, %c0_i32, %c0_i32_0 : i32, i32, i32
  }
}

</mosaic_0001>

<sc_bundles>
// kernel: kernel.4.cloned.1.call-start
scs
__scs_entry_jumppad:
0x0: {  	(pc) =	sbr.rel $0x88, $3  }
0x1: {  	(tag) =	ssettag $0x0;
	lr =	simm.s32 $0x1  }
0x2: {  	[smem:$0x3F99] =	sst lr;
	_ =	strace $0xD0000000  }
0x3: {  	_ = 	snop  }
0x4: {  	_ = 	snop  }
0x5: {  	_ = 	snop  }
0x6: {  	_ = 	snop  }
0x7: {  	_ = 	snop  }
__scs_overlays_trampoline_lowered:
0x8: {  	[smem:$0x3FA8] =	sst s0  }
0x9: {  	[smem:$0x3FA9] =	sst s1  }
0xa: {  	[smem:$0x3FAA] =	sst s2  }
0xb: {  	[smem:$0x3FAB] =	sst s3  }
0xc: {  	[smem:$0x3FAC] =	sst s4  }
0xd: {  	[smem:$0x3FAD] =	sst s5  }
0xe: {  	[smem:$0x3FAE] =	sst s6  }
0xf: {  	[smem:$0x3FAF] =	sst s7  }
0x10: {  	[smem:$0x3FB0] =	sst s8  }
0x11: {  	[smem:$0x3FB1] =	sst s9;
	s0 =	simm.s32 @!p0 $0x0  }
0x12: {  	s1 =	sld [smem:$0x3F97];
	s0 =	simm.s32 @p0 $0x1  }
0x13: {  	[smem:$0x3FB2] =	sst s0;
	s0 =	simm.s32 @!p1 $0x0  }
0x14: {  	s2 =	sld [smem:$0x3F96];
	s0 =	simm.s32 @p1 $0x1  }
0x15: {  	[smem:$0x3FB3] =	sst s0;
	s0 =	simm.s32 @!p2 $0x0  }
0x16: {  	s3 =	sld [smem:$0x3FDB];
	s0 =	simm.s32 @p2 $0x1  }
0x17: {  	s4 =	simm.s32 $0x1BF5;
	[smem:$0x3FB5] =	sst s0  }
0x18: {  	s0 =	sld [smem:$0x3F98];
	_ =	swait.ge [sflag:s4], $0x0  }
0x19: {  	s7 =	sld [smem:$0x3F99]  }
0x1a: {  	s8 =	sadd.s32 $0xFFFFE003, lr  }
0x1b: {  	s9 =	sadd.s32 $0xFFFFFEF7, lr;
	s5 =	simm.s32 $0xFFFFFFFF;
	p2 =	slt.u32 s8, $0xFFFFF086  }
0x1c: {  	p1 =	slt.u32 s9, $0xF7A;
	s5 =	simm.s32 @!p2 $0x0  }
0x1d: {  	s5 =	simm.s32 @p1 $0x1;
	p0 =	seq.s32 s7, s2  }
0x1e: {  	s7 =	smul.u32 @!p0 $0xF7A, s2;
	p2 =	seq.s32 @!p0 s5, $0x0  }
0x1f: {  	s9 =	smul.u32 $0xF7A, s1;
	s8 =	simm.s32 @!p0 $0x1BF5;
	p2 =	por !p2, p0  }
0x20: {  	[sflag:s8] =	ssyncset.s32 @!p0 $0xFFFFF086;
	s6 =	sadd.s32 @!p0 s3, s7;
	s7 =	simm.s32 @!p0 $0x108  }
0x21: {  	s3 =	sadd.s32 s3, s9;
	s6 =	sadd.s32 @!p0 $0x88, s6;
	s7 =	simm.s32 @p2 $0x1082  }
0x22: {  	[simem:s7], [sflag:s8] =	dma.local @!p0 [hbm:s6], $0xF7A  }
0x23: {  	s9 =	sor.u32 $0xD0000000, s2;
	s6 =	simm.s32 $0x108;
	_ =	swait.ge @!p0 [sflag:s8], $0x0  }
0x24: {  	s3 =	sadd.s32 $0x88, s3;
	s6 =	simm.s32 @!p1 $0x1082;
	[sflag:s4] =	ssyncset.s32 $0xFFFFF086  }
0x25: {  	[simem:s6], [sflag:s4] =	dma.local [hbm:s3], $0xF7A  }
0x26: {  	[smem:$0x3F99] =	sst s1;
	(tag) =	ssettag s2;
	_ =	strace s9  }
0x27: {  	s1 =	sld [smem:$0x3FA9]  }
0x28: {  	s2 =	sld [smem:$0x3FAA]  }
0x29: {  	s4 =	sld [smem:$0x3FAC]  }
0x2a: {  	p0 =	seq.s32 s5, $0x0;
	s5 =	sld [smem:$0x3FAD]  }
0x2b: {  	s6 =	sld [smem:$0x3FAE]  }
0x2c: {  	s7 =	sld [smem:$0x3FAF]  }
0x2d: {  	s3 =	simm.s32 $0x108;
	s8 =	sld [smem:$0x3FB0]  }
0x2e: {  	s3 =	simm.s32 @!p0 $0x1082;
	s9 =	sld [smem:$0x3FB1]  }
0x2f: {  	lr =	sadd.s32 s0, s3;
	s0 =	sld [smem:$0x3FA8]  }
0x30: {  	s3 =	sld [smem:$0x3FAB]  }
0x31: {  	[smem:$0x3FB4] =	sst s10  }
0x32: {  	s10 =	sld [smem:$0x3FB2];
	_ =	sdelay $0x3  }
0x33: {  	p0 =	seq.s32 s10, $0x1;
	s10 =	sld [smem:$0x3FB4];
	_ =	sdelay $0x3  }
0x34: {  	[smem:$0x3FB4] =	sst s10  }
0x35: {  	s10 =	sld [smem:$0x3FB3];
	_ =	sdelay $0x3  }
0x36: {  	p1 =	seq.s32 s10, $0x1;
	s10 =	sld [smem:$0x3FB4];
	_ =	sdelay $0x3  }
0x37: {  	[smem:$0x3FB4] =	sst s10  }
0x38: {  	s10 =	sld [smem:$0x3FB5]  }
0x39: {  	_ = 	snop;
	(pc) =	sbr.ind lr, $3  }
0x3a: {  	_ = 	snop  }
0x3b: {  	_ = 	snop  }
0x3c: {  	p2 =	seq.s32 s10, $0x1;
	s10 =	sld [smem:$0x3FB4]  }
0x3d: {  	_ =	shalt  }
0x3e: {  	_ =	shalt  }
0x3f: {  	_ =	shalt  }
0x40: {  	_ =	shalt  }
0x41: {  	_ =	shalt  }
0x42: {  	_ =	shalt  }
0x43: {  	_ =	shalt  }
0x44: {  	_ =	shalt  }
0x45: {  	_ =	shalt  }
0x46: {  	_ =	shalt  }
0x47: {  	_ =	shalt  }
0x48: {  	_ =	shalt  }
0x49: {  	_ =	shalt  }
0x4a: {  	_ =	shalt  }
0x4b: {  	_ =	shalt  }
0x4c: {  	_ =	shalt  }
0x4d: {  	_ =	shalt  }
0x4e: {  	_ =	shalt  }
0x4f: {  	_ =	shalt  }
0x50: {  	_ =	shalt  }
0x51: {  	_ =	shalt  }
0x52: {  	_ =	shalt  }
0x53: {  	_ =	shalt  }
0x54: {  	_ =	shalt  }
0x55: {  	_ =	shalt  }
0x56: {  	_ =	shalt  }
0x57: {  	_ =	shalt  }
0x58: {  	_ =	shalt  }
0x59: {  	_ =	shalt  }
0x5a: {  	_ =	shalt  }
0x5b: {  	_ =	shalt  }
0x5c: {  	_ =	shalt  }
0x5d: {  	_ =	shalt  }
0x5e: {  	_ =	shalt  }
0x5f: {  	_ =	shalt  }
0x60: {  	_ =	shalt  }
0x61: {  	_ =	shalt  }
0x62: {  	_ =	shalt  }
0x63: {  	_ =	shalt  }
0x64: {  	_ =	shalt  }
0x65: {  	_ =	shalt  }
0x66: {  	_ =	shalt  }
0x67: {  	_ =	shalt  }
0x68: {  	_ =	shalt  }
0x69: {  	_ =	shalt  }
0x6a: {  	_ =	shalt  }
0x6b: {  	_ =	shalt  }
0x6c: {  	_ =	shalt  }
0x6d: {  	_ =	shalt  }
0x6e: {  	_ =	shalt  }
0x6f: {  	_ =	shalt  }
0x70: {  	_ =	shalt  }
0x71: {  	_ =	shalt  }
0x72: {  	_ =	shalt  }
0x73: {  	_ =	shalt  }
0x74: {  	_ =	shalt  }
0x75: {  	_ =	shalt  }
0x76: {  	_ =	shalt  }
0x77: {  	_ =	shalt  }
0x78: {  	_ =	shalt  }
0x79: {  	_ =	shalt  }
0x7a: {  	_ =	shalt  }
0x7b: {  	_ =	shalt  }
0x7c: {  	_ =	shalt  }
0x7d: {  	_ =	shalt  }
0x7e: {  	_ =	shalt  }
0x7f: {  	_ =	shalt  }
0x80: {  	_ =	shalt  }
0x81: {  	_ =	shalt  }
0x82: {  	_ =	shalt  }
0x83: {  	_ =	shalt  }
0x84: {  	_ =	shalt  }
0x85: {  	_ =	shalt  }
0x86: {  	_ =	shalt  }
0x87: {  	_ =	shalt  }
.Lfunc_end0:
.L_simem_size_0:
called_computation_lowered:
.L_overlay_start_0:
0x88: {  	s2 =	sld [smem:$0x3FD9]  }
0x89: {  	s3 =	sld [smem:$0x3FFE];
	_ =	sdelay $0x1  }
0x8a: {  	s1 =	srdreg.scid  }
0x8b: {  	s0 =	sand.u32 $0x1, s1  }
0x8c: {  	s16 =	sshll.u32 s0, $0xA;
	s2 =	sadd.s32 s3, s2  }
0x8d: {  	s2 =	sadd.s32 s2, s16  }
0x8e: {  	[smem:$0x3FC0] =	sst s2  }
0x8f: {  	_ = 	snop  }
0x90: {  	(tm) =	ssettm $0x1  }
0x91: {  	s17 =	sld [smem:$0x3FFB];
	_ =	sdelay $0x3  }
0x92: {  	_ =	strace s17  }
0x93: {  	s2 =	sld [smem:$0x3FFC];
	_ =	sdelay $0x3  }
0x94: {  	_ =	strace s2  }
0x95: {  	s2 =	sld [smem:$0x3FFD];
	_ =	sdelay $0x3  }
0x96: {  	_ =	strace s2  }
0x97: {  	_ =	strace $0x8FFFFFFF  }
0x98: {  	s18 =	sld [smem:$0x3FDB];
	_ =	sdelay $0x1  }
0x99: {  	s19 =	simm.s32 $_scs_section_size  }
0x9a: {  	s4 =	simm.s32 $_size__tile_overlayer_lowered;
	s5 =	simm.s32 $_tile_overlayer_lowered  }
0x9b: {  	s22 =	simm.s32 $0x1BFF;
	s21 =	sshll.u32 s5, $0x1;
	s2 =	sadd.s32 s19, s18  }
0x9c: {  	s6 =	simm.s32 $0x0;
	s20 =	sshll.u32 s4, $0x1;
	s4 =	sadd.s32 s21, s2  }
0x9d: {  	[timem:s6], [sflag:s22] =	dma.local [hbm:s4], s20  }
0x9e: {  	_ =	swait.ge [sflag:s22], s20  }
0x9f: {  	s3 =	ssub.s32 $0x0, s20;
	[sflag:s22] =	ssyncset.done $0x0  }
0xa0: {  	[sflag:s22] =	ssyncadd.s32 s3;
	_ =	sdelay $0x1  }
0xa1: {  	s23 =	simm.s32 $0x1B8B  }
0xa2: {  	_ =	swait.ge [sflag:s23], $0x1  }
0xa3: {  	[sflag:s23] =	ssyncset.done $0x0  }
0xa4: {  	s25 =	simm.s32 $0x1B8E;
	s24 =	sld [smem:$0x3FFE];
	[sflag:s23] =	ssyncadd.s32 $0xFFFFFFFF  }
0xa5: {  	s26 =	simm.s32 $execute0_lowered;
	[smem:$0x3FD2] =	sst s25  }
0xa6: {  	s4 =	sshll.u32 s26, $0x1;
	_ =	strace $0x80000046;
	[dreg:$0x1] =	wrdreg $0xFFFFFFFF  }
0xa7: {  	s28 =	simm.s32 $_size_execute0_lowered;
	s2 =	sadd.s32 s2, s4;
	[dreg:$0x0] =	wrdreg $0x0  }
0xa8: {  	s4 =	sshll.u32 s28, $0x1;
	[dreg:$0x2] =	wrdreg s2  }
0xa9: {  	[dreg:$0x3] =	wrdreg s4  }
0xaa: {  	[dreg:$0x4] =	wrdreg $0xC0  }
0xab: {  	_ =	task [dreg:s6], $0x5FFFF  }
0xac: {  	[dreg:$0x1] =	wrdreg $0xFFFFFFFF  }
0xad: {  	[dreg:$0x0] =	wrdreg $0x60  }
0xae: {  	[dreg:$0x2] =	wrdreg s24  }
0xaf: {  	[dreg:$0x3] =	wrdreg $0x9  }
0xb0: {  	_ =	task.clear_ibuf [dreg:s6], $0x4FFFF;
	_ =	strace $0x90000046  }
0xb1: {  	s29 =	simm.s32 $0x9;
	_ =	strace $0x80000048  }
0xb2: {  	_ =	swait.ge [sflag:s29], $0x1  }
0xb3: {  	[sflag:s29] =	ssyncadd.s32 $0xFFFFFFFF  }
0xb4: {  	_ =	strace $0x90000048  }
0xb5: {  	_ =	sfence  }
0xb6: {  	s30 =	sld [smem:$0x0];
	_ =	sdelay $0x2  }
0xb7: {  	s31 =	sshll.u32 s1, $0xD;
	s1 =	sshrl.u32 s1, $0x2  }
0xb8: {  	s3 =	sand.u32 $0x4000, s31;
	s1 =	sadd.s32 s1, s30  }
0xb9: {  	s0 =	sor.u32 s3, s0;
	s1 =	sshll.u32 s1, $0x11  }
0xba: {  	s0 =	sor.u32 s1, s0  }
0xbb: {  	s0 =	sadd.s32 $0x8F2B, s0  }
0xbc: {  	[sflag:s0] =	ssyncadd.remote.s32 $0x1  }
0xbd: {  	_ =	sfence.sel $0xFFFF  }
0xbe: {  	[dreg:$0x0] =	wrdreg $0xFFFFFFFF;
	(pc) =	sbr.abs _section_cstart, $3  }
0xbf: {  	[dreg:$0x1] =	wrdreg $0xFFFFFFFF  }
0xc0: {  	_ =	task.clear_ibuf [dreg:s6], $0x2FFFF;
	_ =	strace $0x9FFFFFFF  }
0xc1: {  	(tm) =	ssettm $0x7FFFFFFF  }
tec
execute0_lowered:
.L_overlay_start_1:
0x0: {  	(tag) =	ssettag $0x1  }
0x1: {  	s5 =	rddreg [dreg:$0x0]  }
0x2: {  	s0 =	rddreg [dreg:$0x1];
	s2 =	simm.s32 $0x0;
	s3 =	srdreg.scid  }
0x3: {  	s1 =	stileid.u32;
	s14 =	simm.s32 $0x580;
	s15 =	simm.s32 $0x980  }
0x4: {  	s16 =	simm.s32 $0x1;
	s17 =	simm.s32 $0xD80;
	s18 =	simm.s32 $0x1180  }
0x5: {  	s19 =	simm.s32 $0x2;
	s20 =	simm.s32 $0x0;
	[smem:$0x7FF] =	sst s2  }
0x6: {  	s3 =	sand.u32 $0x1, s3;
	s4 =	sshll.u32 s1, $0x1;
	s7 =	sshrl.u32 s1, $0x3  }
0x7: {  	s8 =	sadd.s32 $0x600, s5;
	_ =	strace $0x80000047;
	s25 =	smul.u32 $0x3, s7  }
0x8: {  	s4 =	sor.u32 s3, s4;
	s3 =	ssub.s32 $0x2, s3;
	s11 =	smul.u32 $0x1800, s7  }
0x9: {  	s7 =	smul.u32 $0x180, s7;
	s6 =	sshll.u32 s4, $0x4;
	s10 =	sshrl.u32 s3, $0x1  }
0xa: {  	s4 =	sshll.u32 s4, $0x7;
	s9 =	sadd.s32 s6, s5;
	s10 =	ssub.s32 s3, s10  }
0xb: {  	s4 =	sand.u32 $0x780, s4;
	s12 =	sadd.s32 $0x1, s25;
	s6 =	sadd.s32 $0x2, s25  }
0xc: {  	s26 =	sor.u32 s11, s4;
	s28 =	sshll.u32 s12, $0xB;
	s13 =	sshll.u32 s6, $0xB  }
0xd: {  	s30 =	sshll.u32 s12, $0x7;
	s31 =	sshll.u32 s6, $0x7;
	s6 =	sadd.s32 s8, s7  }
0xe: {  	s9 =	sadd.s32 $0xA00, s9;
	s10 =	smax.u32 s10, $0x1;
	s12 =	simm.s32 $0x100  }
0xf: {  	s3 =	sshrl.u32 s26, $0x3;
	s11 =	sor.u32 s4, s28;
	s13 =	sor.u32 s4, s13  }
0x10: {  	s7 =	sadd.s32 s8, s30;
	s8 =	sadd.s32 s8, s31;
	s3 =	sadd.s32 s5, s3  }
0x11: {  	s11 =	sshrl.u32 s11, $0x3;
	s29 =	sshrl.u32 s13, $0x3;
	s13 =	simm.s32 $0x180  }
0x12: {  	s4 =	sadd.s32 s5, s11;
	s5 =	sadd.s32 s5, s29;
	s11 =	simm.s32 $0x80  }
.LBB2_1:
0x13: {  	[tilespmem:s2], [sflag:$0x1] =	stream.linear.gather [hbm4b:s3+s2], $0x80, $0x38;
	[tilespmem:$0x1200] =	vst v63  }
0x14: {  	_ = 	snop  }
0x15: {  	[tilespmem:s11], [sflag:$0x1] =	stream.linear.gather [hbm4b:s4+s2], $0x80, $0x38;
	[tilespmem:$0x1200] =	vst v63  }
0x16: {  	_ = 	snop  }
0x17: {  	[tilespmem:s12], [sflag:$0x1] =	stream.linear.gather [hbm4b:s5+s2], $0x80, $0x38;
	[tilespmem:$0x1200] =	vst v63  }
0x18: {  	_ = 	snop  }
0x19: {  	[tilespmem:s13], [sflag:$0x1] =	stream.linear.gather [hbm4b:s6+s2], $0x400, $0x38;
	[tilespmem:$0x1200] =	vst v63  }
0x1a: {  	_ = 	snop  }
0x1b: {  	[tilespmem:s14], [sflag:$0x1] =	stream.linear.gather [hbm4b:s7+s2], $0x400, $0x38;
	[tilespmem:$0x1200] =	vst v63  }
0x1c: {  	_ = 	snop  }
0x1d: {  	[tilespmem:s15], [sflag:$0x1] =	stream.linear.gather [hbm4b:s8+s2], $0x400, $0x38;
	[tilespmem:$0x1200] =	vst v63  }
0x1e: {  	_ =	swait.ge [sflag:s16], $0x80  }
0x1f: {  	[sflag:s16] =	ssyncset.done $0x0  }
0x20: {  	[sflag:s16] =	ssyncadd.s32 $0xFFFFFF80  }
0x21: {  	_ =	swait.ge [sflag:s16], $0x80  }
0x22: {  	[sflag:s16] =	ssyncset.done $0x0  }
0x23: {  	[sflag:s16] =	ssyncadd.s32 $0xFFFFFF80  }
0x24: {  	_ =	swait.ge [sflag:s16], $0x80  }
0x25: {  	[sflag:s16] =	ssyncset.done $0x0  }
0x26: {  	[sflag:s16] =	ssyncadd.s32 $0xFFFFFF80  }
0x27: {  	_ =	swait.ge [sflag:s16], $0x400  }
0x28: {  	[sflag:s16] =	ssyncset.done $0x0  }
0x29: {  	[sflag:s16] =	ssyncadd.s32 $0xFFFFFC00  }
0x2a: {  	_ =	swait.ge [sflag:s16], $0x400  }
0x2b: {  	[sflag:s16] =	ssyncset.done $0x0  }
0x2c: {  	[sflag:s16] =	ssyncadd.s32 $0xFFFFFC00  }
0x2d: {  	_ =	swait.ge [sflag:s16], $0x400  }
0x2e: {  	[sflag:s16] =	ssyncset.done $0x0  }
0x2f: {  	s21 =	simm.s32 $0x0;
	[sflag:s16] =	ssyncadd.s32 $0xFFFFFC00  }
0x30: {  	v3 =	vld [tilespmem:s21+$0x180]  }
0x31: {  	v1 =	vld [tilespmem:s21+$0x580]  }
0x32: {  	v0 =	vld [tilespmem:s21+$0x980];
	_ =	sdelay $0x2  }
0x33: {  	s22 =	simm.s32 $0x40;
	s23 =	simm.s32 $0x80;
	v2 =	vmul.f32 v3, v3;
	v3 =	vmul.f32 $-2.000000000e+00, v3  }
.LBB2_2:
0x34: {  	p0 =	sne.s32 s23, $0xFC0;
	v4 =	vmul.f32 v1, v1;
	v1 =	vmul.f32 $-2.000000000e+00, v1  }
0x35: {  	s24 =	sshra.s32 s22, $0x2;
	s22 =	smov.u32 s23;
	v5 =	vmul.f32 v0, v0;
	[tilespmem:s21+$0x180] =	vst v3;
	v0 =	vmul.f32 $-2.000000000e+00, v0  }
0x36: {  	v3 =	vld [tilespmem:s24+$0x180];
	v2 =	vadd.f32 v4, v2;
	[tilespmem:s21+$0x580] =	vst v1  }
.Ltmp0:
0x37: {  	v1 =	vld [tilespmem:s24+$0x580];
	[tilespmem:s21+$0x980] =	vst v0;
	(pc) =	sbr.rel @p0 .LBB2_2-.Ltmp0, $3  }
0x38: {  	v0 =	vld [tilespmem:s24+$0x980];
	v2 =	vadd.f32 v5, v2;
	_ =	sdelay $0x1  }
0x39: {  	[tilespmem:s21+$0xD80] =	vst v2;
	s21 =	smov.u32 s24  }
0x3a: {  	s23 =	sadd.s32 $0x40, s23;
	v2 =	vmul.f32 v3, v3;
	v3 =	vmul.f32 $-2.000000000e+00, v3  }
0x3b: {  	v4 =	vmul.f32 $-2.000000000e+00, v1  }
0x3c: {  	s22 =	sshra.s32 s22, $0x2;
	[tilespmem:s21+$0x180] =	vst v3  }
0x3d: {  	v5 =	vmul.f32 $-2.000000000e+00, v0;
	v3 =	vld [tilespmem:s22+$0x180];
	[tilespmem:s21+$0x580] =	vst v4  }
0x3e: {  	v4 =	vld [tilespmem:s22+$0x580]  }
0x3f: {  	v1 =	vmul.f32 v1, v1;
	[tilespmem:s21+$0x980] =	vst v5  }
0x40: {  	v5 =	vld [tilespmem:s22+$0x980]  }
0x41: {  	v0 =	vmul.f32 v0, v0;
	v1 =	vadd.f32 v1, v2;
	_ =	sdelay $0x1  }
0x42: {  	v0 =	vadd.f32 v0, v1;
	v1 =	vmul.f32 v3, v3;
	v2 =	vmul.f32 v4, v4  }
0x43: {  	s23 =	simm.s32 $0x0;
	v3 =	vmul.f32 $-2.000000000e+00, v3;
	v4 =	vmul.f32 $-2.000000000e+00, v4  }
0x44: {  	[tilespmem:s21+$0xD80] =	vst v0;
	v0 =	vmul.f32 v5, v5;
	v1 =	vadd.f32 v2, v1;
	v2 =	vmov s23  }
0x45: {  	[tilespmem:s22+$0x180] =	vst v3;
	v3 =	vmul.f32 $-2.000000000e+00, v5;
	v2 =	vand.u32 $0xFFFFFFFE, v2  }
0x46: {  	[tilespmem:s22+$0x580] =	vst v4;
	v0 =	vadd.f32 v0, v1;
	v4 =	vbroadcast v2, $0x0  }
0x47: {  	[tilespmem:s22+$0x980] =	vst v3  }
0x48: {  	[tilespmem:s22+$0xD80] =	vst v0  }
0x49: {  	v1 =	vld [tilespmem:$0x0]  }
0x4a: {  	s26 =	simm.s32 $0x1;
	s28 =	simm.s32 $0x2;
	v2 =	vld [tilespmem:$0x80]  }
0x4b: {  	v6 =	vmov s28;
	v3 =	vmov s26;
	v0 =	vld [tilespmem:$0x100]  }
0x4c: {  	v6 =	vand.u32 $0xFFFFFFFE, v6;
	v5 =	vld.idx.msk [tilespmem:v4+s17+$0x0], $0xffff  }
0x4d: {  	v6 =	vbroadcast v6, $0x0;
	v7 =	vld.idx.msk [tilespmem:v4+s15+$0x0], $0xffff  }
0x4e: {  	v8 =	vld.idx.msk [tilespmem:v4+s13+$0x0], $0xffff  }
0x4f: {  	v4 =	vld.idx.msk [tilespmem:v4+s14+$0x0], $0xffff  }
0x50: {  	v9 =	vld.idx.msk [tilespmem:v3+s15+$0x0], $0xffff  }
0x51: {  	v11 =	vld.idx.msk [tilespmem:v3+s14+$0x0], $0xffff  }
0x52: {  	v10 =	vld.idx.msk [tilespmem:v3+s13+$0x0], $0xffff  }
0x53: {  	s29 =	simm.s32 $0x3;
	v13 =	vld.idx.msk [tilespmem:v6+s15+$0x0], $0xffff;
	v8 =	vmul.f32 v8, v1  }
0x54: {  	s30 =	simm.s32 $0x4;
	v12 =	vmov s29;
	v3 =	vld.idx.msk [tilespmem:v3+s17+$0x0], $0xffff;
	v7 =	vmul.f32 v7, v0;
	v4 =	vmul.f32 v4, v2  }
0x55: {  	v14 =	vld.idx.msk [tilespmem:v6+s13+$0x0], $0xffff;
	v9 =	vmul.f32 v9, v0;
	v5 =	vadd.f32 v5, v8;
	v8 =	vmov s30  }
0x56: {  	v11 =	vmul.f32 v11, v2;
	v4 =	vadd.f32 v7, v4;
	v7 =	vld.idx.msk [tilespmem:v6+s14+$0x0], $0xffff;
	v8 =	vand.u32 $0xFFFFFFFE, v8  }
0x57: {  	v15 =	vld.idx.msk [tilespmem:v6+s17+$0x0], $0xffff;
	v10 =	vmul.f32 v10, v1;
	v6 =	vbroadcast v8, $0x0;
	_ =	sdelay $0x1  }
0x58: {  	v18 =	vld.idx.msk [tilespmem:v12+s15+$0x0], $0xffff;
	v3 =	vadd.f32 v3, v10;
	v9 =	vadd.f32 v9, v11  }
0x59: {  	v16 =	vimm.f32 $3.000000010e+38;
	v19 =	vld.idx.msk [tilespmem:v12+s14+$0x0], $0xffff;
	v14 =	vmul.f32 v14, v1;
	v4 =	vadd.f32 v4, v5  }
0x5a: {  	s31 =	simm.s32 $0x5;
	v10 =	vmul.f32 v13, v0;
	v11 =	vadd.f32 v9, v3;
	v17 =	vmul.f32 v7, v2;
	v7 =	vld.idx.msk [tilespmem:v12+s13+$0x0], $0xffff  }
0x5b: {  	v9 =	vadd.f32 v15, v14;
	v3 =	vmov s31;
	v13 =	vmax.f32 v16, v4;
	v12 =	vld.idx.msk [tilespmem:v12+s17+$0x0], $0xffff  }
0x5c: {  	v20 =	vmin.f32 v16, v4;
	v8 =	vmin.f32 v16, v13;
	v5 =	vmin.f32 v16, v13;
	v4 =	vld.idx.msk [tilespmem:v6+s17+$0x0], $0xffff  }
0x5d: {  	v10 =	vadd.f32 v10, v17;
	v17 =	vmin.f32 v16, v13;
	v13 =	vmul.f32 v18, v0;
	v14 =	vld.idx.msk [tilespmem:v6+s15+$0x0], $0xffff  }
0x5e: {  	v16 =	vmul.f32 v19, v2;
	v15 =	vld.idx.msk [tilespmem:v6+s13+$0x0], $0xffff;
	v19 =	vmax.f32 v17, v11;
	v21 =	vmax.f32 v17, v11  }
0x5f: {  	s21 =	simm.s32 $0x6;
	v18 =	vmovc v17;
	v9 =	vadd.f32 v10, v9;
	v10 =	vmin.f32 v20, v11;
	v20 =	vmax.f32 v20, v11  }
.LBB2_4:
0x60: {  	p0 =	sne.s32 s21, $0x3FE;
	v22 =	vld.idx.msk [tilespmem:v6+s14+$0x0], $0xffff;
	v17 =	vmin.f32 v17, v20;
	v18 =	vmin.f32 v18, v19;
	v19 =	vmin.f32 v8, v21;
	s22 =	smov.u32 s21;
	s21 =	sadd.s32 $0x2, s21  }
0x61: {  	v21 =	vmul.f32 v7, v1;
	v6 =	vmov s22;
	v20 =	vmax.f32 v19, v9  }
0x62: {  	v8 =	vmax.f32 v8, v11;
	v24 =	vmax.f32 v18, v9;
	v6 =	vand.u32 $0xFFFFFFFE, v6;
	v23 =	vld.idx.msk [tilespmem:v3+s15+$0x0], $0xffff  }
0x63: {  	v5 =	vmin.f32 v5, v8;
	v6 =	vbroadcast v6, $0x0;
	v7 =	vld.idx.msk [tilespmem:v3+s13+$0x0], $0xffff  }
0x64: {  	v11 =	vadd.f32 v12, v21;
	v12 =	vadd.f32 v13, v16;
	v25 =	vld.idx.msk [tilespmem:v3+s14+$0x0], $0xffff  }
0x65: {  	v8 =	vmin.f32 v19, v24;
	v5 =	vmin.f32 v5, v20;
	v13 =	vmul.f32 v14, v0  }
0x66: {  	v14 =	vmul.f32 v15, v1;
	v11 =	vadd.f32 v12, v11;
	v15 =	vmul.f32 v22, v2  }
.Ltmp1:
0x67: {  	v19 =	vmin.f32 v10, v9;
	v10 =	vmax.f32 v10, v9;
	v9 =	vmax.f32 v17, v9;
	(pc) =	sbr.rel @p0 .LBB2_4-.Ltmp1, $4  }
0x68: {  	s22 =	sadd.s32 $0x1, s22;
	v18 =	vmin.f32 v18, v9;
	v16 =	vadd.f32 v4, v14;
	v15 =	vadd.f32 v13, v15;
	v12 =	vld.idx.msk [tilespmem:v3+s17+$0x0], $0xffff  }
0x69: {  	v17 =	vmin.f32 v17, v10;
	v13 =	vmul.f32 v23, v0;
	v3 =	vmov s22;
	v4 =	vld.idx.msk [tilespmem:v6+s17+$0x0], $0xffff  }
0x6a: {  	v10 =	vmin.f32 v19, v11;
	v9 =	vadd.f32 v15, v16;
	v16 =	vmul.f32 v25, v2;
	v14 =	vld.idx.msk [tilespmem:v6+s15+$0x0], $0xffff  }
0x6b: {  	v20 =	vmax.f32 v19, v11;
	v19 =	vmax.f32 v17, v11;
	v21 =	vmax.f32 v18, v11;
	v15 =	vld.idx.msk [tilespmem:v6+s13+$0x0], $0xffff  }
0x6c: {  	_ =	sdelay $0x3  }
0x6d: {  	v6 =	vld.idx.msk [tilespmem:v6+s14+$0x0], $0xffff;
	v17 =	vmin.f32 v17, v20;
	v20 =	vmin.f32 v8, v21;
	v7 =	vmul.f32 v7, v1  }
0x6e: {  	v18 =	vmin.f32 v18, v19;
	v8 =	vmax.f32 v8, v11;
	v11 =	vld.idx.msk [tilespmem:v3+s15+$0x0], $0xffff;
	v19 =	vmax.f32 v20, v9  }
0x6f: {  	v5 =	vmin.f32 v5, v8;
	v7 =	vadd.f32 v12, v7;
	v12 =	vadd.f32 v13, v16  }
0x70: {  	v21 =	vmax.f32 v18, v9;
	v16 =	vld.idx.msk [tilespmem:v3+s13+$0x0], $0xffff;
	v5 =	vmin.f32 v5, v19;
	v13 =	vmul.f32 v14, v0  }
0x71: {  	v8 =	vld.idx.msk [tilespmem:v3+s14+$0x0], $0xffff;
	v15 =	vmul.f32 v15, v1;
	v7 =	vadd.f32 v12, v7;
	v12 =	vmin.f32 v10, v9  }
0x72: {  	v10 =	vmax.f32 v10, v9;
	v9 =	vmax.f32 v17, v9;
	v6 =	vmul.f32 v6, v2  }
0x73: {  	v3 =	vld.idx.msk [tilespmem:v3+s17+$0x0], $0xffff;
	v14 =	vmin.f32 v20, v21;
	v9 =	vmin.f32 v18, v9;
	v11 =	vmul.f32 v11, v0  }
0x74: {  	v10 =	vmin.f32 v17, v10;
	v4 =	vadd.f32 v4, v15;
	v6 =	vadd.f32 v13, v6  }
0x75: {  	v13 =	vmax.f32 v10, v7;
	v15 =	vmul.f32 v16, v1;
	v16 =	vmax.f32 v9, v7  }
0x76: {  	v1 =	vmul.f32 v1, v1;
	v4 =	vadd.f32 v6, v4;
	v6 =	vmul.f32 v8, v2  }
0x77: {  	v9 =	vmin.f32 v9, v13;
	v8 =	vmin.f32 v12, v7;
	v12 =	vmax.f32 v12, v7  }
0x78: {  	v3 =	vadd.f32 v3, v15;
	v7 =	vmax.f32 v14, v7;
	v6 =	vadd.f32 v11, v6  }
0x79: {  	v2 =	vmul.f32 v2, v2;
	v10 =	vmin.f32 v10, v12;
	v12 =	vmin.f32 v14, v16  }
0x7a: {  	v11 =	vmax.f32 v12, v4;
	v13 =	vmax.f32 v9, v4;
	v3 =	vadd.f32 v6, v3  }
0x7b: {  	v6 =	vmin.f32 v8, v4;
	v8 =	vmax.f32 v8, v4;
	v4 =	vmax.f32 v10, v4  }
0x7c: {  	v4 =	vmin.f32 v9, v4;
	v8 =	vmin.f32 v10, v8;
	v9 =	vmax.f32 v6, v3  }
0x7d: {  	v6 =	vmin.f32 v6, v3;
	v10 =	vmax.f32 v8, v3;
	v8 =	vmin.f32 v8, v9  }
0x7e: {  	v0 =	vmul.f32 v0, v0;
	v5 =	vmin.f32 v5, v7;
	v6 =	vadd.f32 v8, v6  }
0x7f: {  	v1 =	vadd.f32 v2, v1;
	v8 =	vmax.f32 v4, v3;
	v4 =	vmin.f32 v4, v10  }
0x80: {  	s21 =	simm.s32 $0x0;
	v7 =	vmin.f32 v12, v13;
	v5 =	vmin.f32 v5, v11;
	v2 =	vadd.f32 v4, v6  }
0x81: {  	v0 =	vadd.f32 v0, v1;
	v4 =	vmin.f32 v7, v8;
	v6 =	vmov s21  }
0x82: {  	v3 =	vmax.f32 v7, v3;
	v1 =	vadd.f32 v4, v2;
	v2 =	vand.u32 $0xFFFFFFFE, v6  }
0x83: {  	v3 =	vmin.f32 v5, v3;
	v4 =	vbroadcast v2, $0x0  }
0x84: {  	v0 =	vmul.f32 $5.000000000e+00, v0;
	v1 =	vadd.f32 v3, v1;
	_ =	sdelay $0x1  }
0x85: {  	v2 =	vld [tilespmem:$0x90];
	v0 =	vadd.f32 v1, v0  }
0x86: {  	s28 =	simm.s32 $0x1;
	v1 =	vld [tilespmem:$0x10]  }
0x87: {  	s22 =	simm.s32 $0x2;
	v3 =	vmov s28;
	[tilespmem:$0x1180] =	vst v0;
	v0 =	vld [tilespmem:$0x110]  }
0x88: {  	v6 =	vmov s22;
	v5 =	vld.idx.msk [tilespmem:v4+s17+$0x0], $0xffff  }
0x89: {  	v6 =	vand.u32 $0xFFFFFFFE, v6;
	v7 =	vld.idx.msk [tilespmem:v4+s15+$0x0], $0xffff  }
0x8a: {  	v6 =	vbroadcast v6, $0x0;
	v8 =	vld.idx.msk [tilespmem:v4+s13+$0x0], $0xffff  }
0x8b: {  	v4 =	vld.idx.msk [tilespmem:v4+s14+$0x0], $0xffff  }
0x8c: {  	v9 =	vld.idx.msk [tilespmem:v3+s15+$0x0], $0xffff  }
0x8d: {  	v11 =	vld.idx.msk [tilespmem:v3+s14+$0x0], $0xffff  }
0x8e: {  	v10 =	vld.idx.msk [tilespmem:v3+s13+$0x0], $0xffff  }
0x8f: {  	s29 =	simm.s32 $0x3;
	v3 =	vld.idx.msk [tilespmem:v3+s17+$0x0], $0xffff;
	v8 =	vmul.f32 v8, v1  }
0x90: {  	s30 =	simm.s32 $0x4;
	v12 =	vmov s29;
	v13 =	vld.idx.msk [tilespmem:v6+s15+$0x0], $0xffff;
	v7 =	vmul.f32 v7, v0;
	v4 =	vmul.f32 v4, v2  }
0x91: {  	v14 =	vld.idx.msk [tilespmem:v6+s13+$0x0], $0xffff;
	v9 =	vmul.f32 v9, v0;
	v5 =	vadd.f32 v5, v8;
	v8 =	vmov s30  }
0x92: {  	v11 =	vmul.f32 v11, v2;
	v4 =	vadd.f32 v7, v4;
	v7 =	vld.idx.msk [tilespmem:v6+s14+$0x0], $0xffff;
	v8 =	vand.u32 $0xFFFFFFFE, v8  }
0x93: {  	v15 =	vld.idx.msk [tilespmem:v6+s17+$0x0], $0xffff;
	v10 =	vmul.f32 v10, v1;
	v6 =	vbroadcast v8, $0x0;
	_ =	sdelay $0x1  }
0x94: {  	v18 =	vld.idx.msk [tilespmem:v12+s15+$0x0], $0xffff;
	v3 =	vadd.f32 v3, v10;
	v9 =	vadd.f32 v9, v11  }
0x95: {  	v16 =	vimm.f32 $3.000000010e+38;
	v19 =	vld.idx.msk [tilespmem:v12+s14+$0x0], $0xffff;
	v14 =	vmul.f32 v14, v1;
	v4 =	vadd.f32 v4, v5  }
0x96: {  	s31 =	simm.s32 $0x5;
	v10 =	vmul.f32 v13, v0;
	v11 =	vadd.f32 v9, v3;
	v17 =	vmul.f32 v7, v2;
	v7 =	vld.idx.msk [tilespmem:v12+s13+$0x0], $0xffff  }
0x97: {  	v9 =	vadd.f32 v15, v14;
	v3 =	vmov s31;
	v13 =	vmax.f32 v16, v4;
	v12 =	vld.idx.msk [tilespmem:v12+s17+$0x0], $0xffff  }
0x98: {  	v20 =	vmin.f32 v16, v4;
	v8 =	vmin.f32 v16, v13;
	v5 =	vmin.f32 v16, v13;
	v4 =	vld.idx.msk [tilespmem:v6+s17+$0x0], $0xffff  }
0x99: {  	v10 =	vadd.f32 v10, v17;
	v17 =	vmin.f32 v16, v13;
	v13 =	vmul.f32 v18, v0;
	v14 =	vld.idx.msk [tilespmem:v6+s15+$0x0], $0xffff  }
0x9a: {  	v16 =	vmul.f32 v19, v2;
	v15 =	vld.idx.msk [tilespmem:v6+s13+$0x0], $0xffff;
	v19 =	vmax.f32 v17, v11;
	v21 =	vmax.f32 v17, v11  }
0x9b: {  	s21 =	simm.s32 $0x6;
	v18 =	vmovc v17;
	v9 =	vadd.f32 v10, v9;
	v10 =	vmin.f32 v20, v11;
	v20 =	vmax.f32 v20, v11  }
.LBB2_6:
0x9c: {  	p0 =	sne.s32 s21, $0x3FE;
	v22 =	vld.idx.msk [tilespmem:v6+s14+$0x0], $0xffff;
	v17 =	vmin.f32 v17, v20;
	v18 =	vmin.f32 v18, v19;
	v19 =	vmin.f32 v8, v21;
	s22 =	smov.u32 s21;
	s21 =	sadd.s32 $0x2, s21  }
0x9d: {  	v21 =	vmul.f32 v7, v1;
	v6 =	vmov s22;
	v20 =	vmax.f32 v19, v9  }
0x9e: {  	v8 =	vmax.f32 v8, v11;
	v24 =	vmax.f32 v18, v9;
	v6 =	vand.u32 $0xFFFFFFFE, v6;
	v23 =	vld.idx.msk [tilespmem:v3+s15+$0x0], $0xffff  }
0x9f: {  	v5 =	vmin.f32 v5, v8;
	v6 =	vbroadcast v6, $0x0;
	v7 =	vld.idx.msk [tilespmem:v3+s13+$0x0], $0xffff  }
0xa0: {  	v11 =	vadd.f32 v12, v21;
	v12 =	vadd.f32 v13, v16;
	v25 =	vld.idx.msk [tilespmem:v3+s14+$0x0], $0xffff  }
0xa1: {  	v8 =	vmin.f32 v19, v24;
	v5 =	vmin.f32 v5, v20;
	v13 =	vmul.f32 v14, v0  }
0xa2: {  	v14 =	vmul.f32 v15, v1;
	v11 =	vadd.f32 v12, v11;
	v15 =	vmul.f32 v22, v2  }
.Ltmp2:
0xa3: {  	v19 =	vmin.f32 v10, v9;
	v10 =	vmax.f32 v10, v9;
	v9 =	vmax.f32 v17, v9;
	(pc) =	sbr.rel @p0 .LBB2_6-.Ltmp2, $4  }
0xa4: {  	s22 =	sadd.s32 $0x1, s22;
	v18 =	vmin.f32 v18, v9;
	v16 =	vadd.f32 v4, v14;
	v15 =	vadd.f32 v13, v15;
	v12 =	vld.idx.msk [tilespmem:v3+s17+$0x0], $0xffff  }
0xa5: {  	v17 =	vmin.f32 v17, v10;
	v13 =	vmul.f32 v23, v0;
	v3 =	vmov s22;
	v4 =	vld.idx.msk [tilespmem:v6+s17+$0x0], $0xffff  }
0xa6: {  	v10 =	vmin.f32 v19, v11;
	v9 =	vadd.f32 v15, v16;
	v16 =	vmul.f32 v25, v2;
	v14 =	vld.idx.msk [tilespmem:v6+s15+$0x0], $0xffff  }
0xa7: {  	v20 =	vmax.f32 v19, v11;
	v19 =	vmax.f32 v17, v11;
	v21 =	vmax.f32 v18, v11;
	v15 =	vld.idx.msk [tilespmem:v6+s13+$0x0], $0xffff  }
0xa8: {  	_ =	sdelay $0x3  }
0xa9: {  	v6 =	vld.idx.msk [tilespmem:v6+s14+$0x0], $0xffff;
	v17 =	vmin.f32 v17, v20;
	v20 =	vmin.f32 v8, v21;
	v7 =	vmul.f32 v7, v1  }
0xaa: {  	v18 =	vmin.f32 v18, v19;
	v8 =	vmax.f32 v8, v11;
	v11 =	vld.idx.msk [tilespmem:v3+s15+$0x0], $0xffff;
	v19 =	vmax.f32 v20, v9  }
0xab: {  	v5 =	vmin.f32 v5, v8;
	v7 =	vadd.f32 v12, v7;
	v12 =	vadd.f32 v13, v16  }
0xac: {  	v21 =	vmax.f32 v18, v9;
	v16 =	vld.idx.msk [tilespmem:v3+s13+$0x0], $0xffff;
	v5 =	vmin.f32 v5, v19;
	v13 =	vmul.f32 v14, v0  }
0xad: {  	v8 =	vld.idx.msk [tilespmem:v3+s14+$0x0], $0xffff;
	v15 =	vmul.f32 v15, v1;
	v7 =	vadd.f32 v12, v7;
	v12 =	vmin.f32 v10, v9  }
0xae: {  	v10 =	vmax.f32 v10, v9;
	v9 =	vmax.f32 v17, v9;
	v6 =	vmul.f32 v6, v2  }
0xaf: {  	v3 =	vld.idx.msk [tilespmem:v3+s17+$0x0], $0xffff;
	v14 =	vmin.f32 v20, v21;
	v9 =	vmin.f32 v18, v9;
	v11 =	vmul.f32 v11, v0  }
0xb0: {  	v10 =	vmin.f32 v17, v10;
	v4 =	vadd.f32 v4, v15;
	v6 =	vadd.f32 v13, v6  }
0xb1: {  	v13 =	vmax.f32 v10, v7;
	v15 =	vmul.f32 v16, v1;
	v16 =	vmax.f32 v9, v7  }
0xb2: {  	v1 =	vmul.f32 v1, v1;
	v4 =	vadd.f32 v6, v4;
	v6 =	vmul.f32 v8, v2  }
0xb3: {  	v9 =	vmin.f32 v9, v13;
	v8 =	vmin.f32 v12, v7;
	v12 =	vmax.f32 v12, v7  }
0xb4: {  	v3 =	vadd.f32 v3, v15;
	v7 =	vmax.f32 v14, v7;
	v6 =	vadd.f32 v11, v6  }
0xb5: {  	v2 =	vmul.f32 v2, v2;
	v10 =	vmin.f32 v10, v12;
	v12 =	vmin.f32 v14, v16  }
0xb6: {  	v11 =	vmax.f32 v12, v4;
	v13 =	vmax.f32 v9, v4;
	v3 =	vadd.f32 v6, v3  }
0xb7: {  	v6 =	vmin.f32 v8, v4;
	v8 =	vmax.f32 v8, v4;
	v4 =	vmax.f32 v10, v4  }
0xb8: {  	v4 =	vmin.f32 v9, v4;
	v8 =	vmin.f32 v10, v8;
	v9 =	vmax.f32 v6, v3  }
0xb9: {  	v6 =	vmin.f32 v6, v3;
	v10 =	vmax.f32 v8, v3;
	v8 =	vmin.f32 v8, v9  }
0xba: {  	v0 =	vmul.f32 v0, v0;
	v5 =	vmin.f32 v5, v7;
	v6 =	vadd.f32 v8, v6  }
0xbb: {  	v1 =	vadd.f32 v2, v1;
	v8 =	vmax.f32 v4, v3;
	v4 =	vmin.f32 v4, v10  }
0xbc: {  	s21 =	simm.s32 $0x0;
	v7 =	vmin.f32 v12, v13;
	v5 =	vmin.f32 v5, v11;
	v2 =	vadd.f32 v4, v6  }
0xbd: {  	v0 =	vadd.f32 v0, v1;
	v4 =	vmin.f32 v7, v8;
	v6 =	vmov s21  }
0xbe: {  	v3 =	vmax.f32 v7, v3;
	v1 =	vadd.f32 v4, v2;
	v2 =	vand.u32 $0xFFFFFFFE, v6  }
0xbf: {  	v3 =	vmin.f32 v5, v3;
	v4 =	vbroadcast v2, $0x0  }
0xc0: {  	v0 =	vmul.f32 $5.000000000e+00, v0;
	v1 =	vadd.f32 v3, v1;
	_ =	sdelay $0x1  }
0xc1: {  	v2 =	vld [tilespmem:$0xA0];
	v0 =	vadd.f32 v1, v0  }
0xc2: {  	s28 =	simm.s32 $0x1;
	v1 =	vld [tilespmem:$0x20]  }
0xc3: {  	s22 =	simm.s32 $0x2;
	v3 =	vmov s28;
	[tilespmem:$0x1190] =	vst v0;
	v0 =	vld [tilespmem:$0x120]  }
0xc4: {  	v6 =	vmov s22;
	v5 =	vld.idx.msk [tilespmem:v4+s17+$0x0], $0xffff  }
0xc5: {  	v6 =	vand.u32 $0xFFFFFFFE, v6;
	v7 =	vld.idx.msk [tilespmem:v4+s15+$0x0], $0xffff  }
0xc6: {  	v6 =	vbroadcast v6, $0x0;
	v8 =	vld.idx.msk [tilespmem:v4+s13+$0x0], $0xffff  }
0xc7: {  	v4 =	vld.idx.msk [tilespmem:v4+s14+$0x0], $0xffff  }
0xc8: {  	v9 =	vld.idx.msk [tilespmem:v3+s15+$0x0], $0xffff  }
0xc9: {  	v11 =	vld.idx.msk [tilespmem:v3+s14+$0x0], $0xffff  }
0xca: {  	v10 =	vld.idx.msk [tilespmem:v3+s13+$0x0], $0xffff  }
0xcb: {  	s29 =	simm.s32 $0x3;
	v3 =	vld.idx.msk [tilespmem:v3+s17+$0x0], $0xffff;
	v8 =	vmul.f32 v8, v1  }
0xcc: {  	s30 =	simm.s32 $0x4;
	v12 =	vmov s29;
	v13 =	vld.idx.msk [tilespmem:v6+s15+$0x0], $0xffff;
	v7 =	vmul.f32 v7, v0;
	v4 =	vmul.f32 v4, v2  }
0xcd: {  	v14 =	vld.idx.msk [tilespmem:v6+s13+$0x0], $0xffff;
	v9 =	vmul.f32 v9, v0;
	v5 =	vadd.f32 v5, v8;
	v8 =	vmov s30  }
0xce: {  	v11 =	vmul.f32 v11, v2;
	v4 =	vadd.f32 v7, v4;
	v7 =	vld.idx.msk [tilespmem:v6+s14+$0x0], $0xffff;
	v8 =	vand.u32 $0xFFFFFFFE, v8  }
0xcf: {  	v15 =	vld.idx.msk [tilespmem:v6+s17+$0x0], $0xffff;
	v10 =	vmul.f32 v10, v1;
	v6 =	vbroadcast v8, $0x0;
	_ =	sdelay $0x1  }
0xd0: {  	v18 =	vld.idx.msk [tilespmem:v12+s15+$0x0], $0xffff;
	v3 =	vadd.f32 v3, v10;
	v9 =	vadd.f32 v9, v11  }
0xd1: {  	v16 =	vimm.f32 $3.000000010e+38;
	v19 =	vld.idx.msk [tilespmem:v12+s14+$0x0], $0xffff;
	v14 =	vmul.f32 v14, v1;
	v4 =	vadd.f32 v4, v5  }
0xd2: {  	s31 =	simm.s32 $0x5;
	v10 =	vmul.f32 v13, v0;
	v11 =	vadd.f32 v9, v3;
	v17 =	vmul.f32 v7, v2;
	v7 =	vld.idx.msk [tilespmem:v12+s13+$0x0], $0xffff  }
0xd3: {  	v9 =	vadd.f32 v15, v14;
	v3 =	vmov s31;
	v13 =	vmax.f32 v16, v4;
	v12 =	vld.idx.msk [tilespmem:v12+s17+$0x0], $0xffff  }
0xd4: {  	v20 =	vmin.f32 v16, v4;
	v8 =	vmin.f32 v16, v13;
	v5 =	vmin.f32 v16, v13;
	v4 =	vld.idx.msk [tilespmem:v6+s17+$0x0], $0xffff  }
0xd5: {  	v10 =	vadd.f32 v10, v17;
	v17 =	vmin.f32 v16, v13;
	v13 =	vmul.f32 v18, v0;
	v14 =	vld.idx.msk [tilespmem:v6+s15+$0x0], $0xffff  }
0xd6: {  	v16 =	vmul.f32 v19, v2;
	v15 =	vld.idx.msk [tilespmem:v6+s13+$0x0], $0xffff;
	v19 =	vmax.f32 v17, v11;
	v21 =	vmax.f32 v17, v11  }
0xd7: {  	s21 =	simm.s32 $0x6;
	v18 =	vmovc v17;
	v9 =	vadd.f32 v10, v9;
	v10 =	vmin.f32 v20, v11;
	v20 =	vmax.f32 v20, v11  }
.LBB2_8:
0xd8: {  	p0 =	sne.s32 s21, $0x3FE;
	v22 =	vld.idx.msk [tilespmem:v6+s14+$0x0], $0xffff;
	v17 =	vmin.f32 v17, v20;
	v18 =	vmin.f32 v18, v19;
	v19 =	vmin.f32 v8, v21;
	s22 =	smov.u32 s21;
	s21 =	sadd.s32 $0x2, s21  }
0xd9: {  	v21 =	vmul.f32 v7, v1;
	v6 =	vmov s22;
	v20 =	vmax.f32 v19, v9  }
0xda: {  	v8 =	vmax.f32 v8, v11;
	v24 =	vmax.f32 v18, v9;
	v6 =	vand.u32 $0xFFFFFFFE, v6;
	v23 =	vld.idx.msk [tilespmem:v3+s15+$0x0], $0xffff  }
0xdb: {  	v5 =	vmin.f32 v5, v8;
	v6 =	vbroadcast v6, $0x0;
	v7 =	vld.idx.msk [tilespmem:v3+s13+$0x0], $0xffff  }
0xdc: {  	v11 =	vadd.f32 v12, v21;
	v12 =	vadd.f32 v13, v16;
	v25 =	vld.idx.msk [tilespmem:v3+s14+$0x0], $0xffff  }
0xdd: {  	v8 =	vmin.f32 v19, v24;
	v5 =	vmin.f32 v5, v20;
	v13 =	vmul.f32 v14, v0  }
0xde: {  	v14 =	vmul.f32 v15, v1;
	v11 =	vadd.f32 v12, v11;
	v15 =	vmul.f32 v22, v2  }
.Ltmp3:
0xdf: {  	v19 =	vmin.f32 v10, v9;
	v10 =	vmax.f32 v10, v9;
	v9 =	vmax.f32 v17, v9;
	(pc) =	sbr.rel @p0 .LBB2_8-.Ltmp3, $4  }
0xe0: {  	s22 =	sadd.s32 $0x1, s22;
	v18 =	vmin.f32 v18, v9;
	v16 =	vadd.f32 v4, v14;
	v15 =	vadd.f32 v13, v15;
	v12 =	vld.idx.msk [tilespmem:v3+s17+$0x0], $0xffff  }
0xe1: {  	v17 =	vmin.f32 v17, v10;
	v13 =	vmul.f32 v23, v0;
	v3 =	vmov s22;
	v4 =	vld.idx.msk [tilespmem:v6+s17+$0x0], $0xffff  }
0xe2: {  	v10 =	vmin.f32 v19, v11;
	v9 =	vadd.f32 v15, v16;
	v16 =	vmul.f32 v25, v2;
	v14 =	vld.idx.msk [tilespmem:v6+s15+$0x0], $0xffff  }
0xe3: {  	v20 =	vmax.f32 v19, v11;
	v19 =	vmax.f32 v17, v11;
	v21 =	vmax.f32 v18, v11;
	v15 =	vld.idx.msk [tilespmem:v6+s13+$0x0], $0xffff  }
0xe4: {  	_ =	sdelay $0x3  }
0xe5: {  	v6 =	vld.idx.msk [tilespmem:v6+s14+$0x0], $0xffff;
	v17 =	vmin.f32 v17, v20;
	v20 =	vmin.f32 v8, v21;
	v7 =	vmul.f32 v7, v1  }
0xe6: {  	v18 =	vmin.f32 v18, v19;
	v8 =	vmax.f32 v8, v11;
	v11 =	vld.idx.msk [tilespmem:v3+s15+$0x0], $0xffff;
	v19 =	vmax.f32 v20, v9  }
0xe7: {  	v5 =	vmin.f32 v5, v8;
	v7 =	vadd.f32 v12, v7;
	v12 =	vadd.f32 v13, v16  }
0xe8: {  	v21 =	vmax.f32 v18, v9;
	v16 =	vld.idx.msk [tilespmem:v3+s13+$0x0], $0xffff;
	v5 =	vmin.f32 v5, v19;
	v13 =	vmul.f32 v14, v0  }
0xe9: {  	v8 =	vld.idx.msk [tilespmem:v3+s14+$0x0], $0xffff;
	v15 =	vmul.f32 v15, v1;
	v7 =	vadd.f32 v12, v7;
	v12 =	vmin.f32 v10, v9  }
0xea: {  	v10 =	vmax.f32 v10, v9;
	v9 =	vmax.f32 v17, v9;
	v6 =	vmul.f32 v6, v2  }
0xeb: {  	v3 =	vld.idx.msk [tilespmem:v3+s17+$0x0], $0xffff;
	v14 =	vmin.f32 v20, v21;
	v9 =	vmin.f32 v18, v9;
	v11 =	vmul.f32 v11, v0  }
0xec: {  	v10 =	vmin.f32 v17, v10;
	v4 =	vadd.f32 v4, v15;
	v6 =	vadd.f32 v13, v6  }
0xed: {  	v13 =	vmax.f32 v10, v7;
	v15 =	vmul.f32 v16, v1;
	v16 =	vmax.f32 v9, v7  }
0xee: {  	v1 =	vmul.f32 v1, v1;
	v4 =	vadd.f32 v6, v4;
	v6 =	vmul.f32 v8, v2  }
0xef: {  	v9 =	vmin.f32 v9, v13;
	v8 =	vmin.f32 v12, v7;
	v12 =	vmax.f32 v12, v7  }
0xf0: {  	v3 =	vadd.f32 v3, v15;
	v7 =	vmax.f32 v14, v7;
	v6 =	vadd.f32 v11, v6  }
0xf1: {  	v2 =	vmul.f32 v2, v2;
	v10 =	vmin.f32 v10, v12;
	v12 =	vmin.f32 v14, v16  }
0xf2: {  	v11 =	vmax.f32 v12, v4;
	v13 =	vmax.f32 v9, v4;
	v3 =	vadd.f32 v6, v3  }
0xf3: {  	v6 =	vmin.f32 v8, v4;
	v8 =	vmax.f32 v8, v4;
	v4 =	vmax.f32 v10, v4  }
0xf4: {  	v4 =	vmin.f32 v9, v4;
	v8 =	vmin.f32 v10, v8;
	v9 =	vmax.f32 v6, v3  }
0xf5: {  	v6 =	vmin.f32 v6, v3;
	v10 =	vmax.f32 v8, v3;
	v8 =	vmin.f32 v8, v9  }
0xf6: {  	v0 =	vmul.f32 v0, v0;
	v5 =	vmin.f32 v5, v7;
	v6 =	vadd.f32 v8, v6  }
0xf7: {  	v1 =	vadd.f32 v2, v1;
	v8 =	vmax.f32 v4, v3;
	v4 =	vmin.f32 v4, v10  }
0xf8: {  	s21 =	simm.s32 $0x0;
	v7 =	vmin.f32 v12, v13;
	v5 =	vmin.f32 v5, v11;
	v2 =	vadd.f32 v4, v6  }
0xf9: {  	v0 =	vadd.f32 v0, v1;
	v4 =	vmin.f32 v7, v8;
	v6 =	vmov s21  }
0xfa: {  	v3 =	vmax.f32 v7, v3;
	v1 =	vadd.f32 v4, v2;
	v2 =	vand.u32 $0xFFFFFFFE, v6  }
0xfb: {  	v3 =	vmin.f32 v5, v3;
	v4 =	vbroadcast v2, $0x0  }
0xfc: {  	v0 =	vmul.f32 $5.000000000e+00, v0;
	v1 =	vadd.f32 v3, v1;
	_ =	sdelay $0x1  }
0xfd: {  	v2 =	vld [tilespmem:$0xB0];
	v0 =	vadd.f32 v1, v0  }
0xfe: {  	s28 =	simm.s32 $0x1;
	v1 =	vld [tilespmem:$0x30]  }
0xff: {  	s22 =	simm.s32 $0x2;
	v3 =	vmov s28;
	[tilespmem:$0x11A0] =	vst v0;
	v0 =	vld [tilespmem:$0x130]  }
0x100: {  	v6 =	vmov s22;
	v5 =	vld.idx.msk [tilespmem:v4+s17+$0x0], $0xffff  }
0x101: {  	v6 =	vand.u32 $0xFFFFFFFE, v6;
	v7 =	vld.idx.msk [tilespmem:v4+s15+$0x0], $0xffff  }
0x102: {  	v6 =	vbroadcast v6, $0x0;
	v8 =	vld.idx.msk [tilespmem:v4+s13+$0x0], $0xffff  }
0x103: {  	v4 =	vld.idx.msk [tilespmem:v4+s14+$0x0], $0xffff  }
0x104: {  	v9 =	vld.idx.msk [tilespmem:v3+s15+$0x0], $0xffff  }
0x105: {  	v11 =	vld.idx.msk [tilespmem:v3+s14+$0x0], $0xffff  }
0x106: {  	v10 =	vld.idx.msk [tilespmem:v3+s13+$0x0], $0xffff  }
0x107: {  	s29 =	simm.s32 $0x3;
	v3 =	vld.idx.msk [tilespmem:v3+s17+$0x0], $0xffff;
	v8 =	vmul.f32 v8, v1  }
0x108: {  	s30 =	simm.s32 $0x4;
	v12 =	vmov s29;
	v13 =	vld.idx.msk [tilespmem:v6+s15+$0x0], $0xffff;
	v7 =	vmul.f32 v7, v0;
	v4 =	vmul.f32 v4, v2  }
0x109: {  	v14 =	vld.idx.msk [tilespmem:v6+s13+$0x0], $0xffff;
	v9 =	vmul.f32 v9, v0;
	v5 =	vadd.f32 v5, v8;
	v8 =	vmov s30  }
0x10a: {  	v11 =	vmul.f32 v11, v2;
	v4 =	vadd.f32 v7, v4;
	v7 =	vld.idx.msk [tilespmem:v6+s14+$0x0], $0xffff;
	v8 =	vand.u32 $0xFFFFFFFE, v8  }
0x10b: {  	v15 =	vld.idx.msk [tilespmem:v6+s17+$0x0], $0xffff;
	v10 =	vmul.f32 v10, v1;
	v6 =	vbroadcast v8, $0x0;
	_ =	sdelay $0x1  }
0x10c: {  	v18 =	vld.idx.msk [tilespmem:v12+s15+$0x0], $0xffff;
	v3 =	vadd.f32 v3, v10;
	v9 =	vadd.f32 v9, v11  }
0x10d: {  	v16 =	vimm.f32 $3.000000010e+38;
	v19 =	vld.idx.msk [tilespmem:v12+s14+$0x0], $0xffff;
	v14 =	vmul.f32 v14, v1;
	v4 =	vadd.f32 v4, v5  }
0x10e: {  	s31 =	simm.s32 $0x5;
	v10 =	vmul.f32 v13, v0;
	v11 =	vadd.f32 v9, v3;
	v17 =	vmul.f32 v7, v2;
	v7 =	vld.idx.msk [tilespmem:v12+s13+$0x0], $0xffff  }
0x10f: {  	v9 =	vadd.f32 v15, v14;
	v3 =	vmov s31;
	v13 =	vmax.f32 v16, v4;
	v12 =	vld.idx.msk [tilespmem:v12+s17+$0x0], $0xffff  }
0x110: {  	v20 =	vmin.f32 v16, v4;
	v8 =	vmin.f32 v16, v13;
	v5 =	vmin.f32 v16, v13;
	v4 =	vld.idx.msk [tilespmem:v6+s17+$0x0], $0xffff  }
0x111: {  	v10 =	vadd.f32 v10, v17;
	v17 =	vmin.f32 v16, v13;
	v13 =	vmul.f32 v18, v0;
	v14 =	vld.idx.msk [tilespmem:v6+s15+$0x0], $0xffff  }
0x112: {  	v16 =	vmul.f32 v19, v2;
	v15 =	vld.idx.msk [tilespmem:v6+s13+$0x0], $0xffff;
	v19 =	vmax.f32 v17, v11;
	v21 =	vmax.f32 v17, v11  }
0x113: {  	s21 =	simm.s32 $0x6;
	v18 =	vmovc v17;
	v9 =	vadd.f32 v10, v9;
	v10 =	vmin.f32 v20, v11;
	v20 =	vmax.f32 v20, v11  }
.LBB2_10:
0x114: {  	p0 =	sne.s32 s21, $0x3FE;
	v22 =	vld.idx.msk [tilespmem:v6+s14+$0x0], $0xffff;
	v17 =	vmin.f32 v17, v20;
	v18 =	vmin.f32 v18, v19;
	v19 =	vmin.f32 v8, v21;
	s22 =	smov.u32 s21;
	s21 =	sadd.s32 $0x2, s21  }
0x115: {  	v21 =	vmul.f32 v7, v1;
	v6 =	vmov s22;
	v20 =	vmax.f32 v19, v9  }
0x116: {  	v8 =	vmax.f32 v8, v11;
	v24 =	vmax.f32 v18, v9;
	v6 =	vand.u32 $0xFFFFFFFE, v6;
	v23 =	vld.idx.msk [tilespmem:v3+s15+$0x0], $0xffff  }
0x117: {  	v5 =	vmin.f32 v5, v8;
	v6 =	vbroadcast v6, $0x0;
	v7 =	vld.idx.msk [tilespmem:v3+s13+$0x0], $0xffff  }
0x118: {  	v11 =	vadd.f32 v12, v21;
	v12 =	vadd.f32 v13, v16;
	v25 =	vld.idx.msk [tilespmem:v3+s14+$0x0], $0xffff  }
0x119: {  	v8 =	vmin.f32 v19, v24;
	v5 =	vmin.f32 v5, v20;
	v13 =	vmul.f32 v14, v0  }
0x11a: {  	v14 =	vmul.f32 v15, v1;
	v11 =	vadd.f32 v12, v11;
	v15 =	vmul.f32 v22, v2  }
.Ltmp4:
0x11b: {  	v19 =	vmin.f32 v10, v9;
	v10 =	vmax.f32 v10, v9;
	v9 =	vmax.f32 v17, v9;
	(pc) =	sbr.rel @p0 .LBB2_10-.Ltmp4, $4  }
0x11c: {  	s22 =	sadd.s32 $0x1, s22;
	v18 =	vmin.f32 v18, v9;
	v16 =	vadd.f32 v4, v14;
	v15 =	vadd.f32 v13, v15;
	v12 =	vld.idx.msk [tilespmem:v3+s17+$0x0], $0xffff  }
0x11d: {  	v17 =	vmin.f32 v17, v10;
	v13 =	vmul.f32 v23, v0;
	v3 =	vmov s22;
	v4 =	vld.idx.msk [tilespmem:v6+s17+$0x0], $0xffff  }
0x11e: {  	v10 =	vmin.f32 v19, v11;
	v9 =	vadd.f32 v15, v16;
	v16 =	vmul.f32 v25, v2;
	v14 =	vld.idx.msk [tilespmem:v6+s15+$0x0], $0xffff  }
0x11f: {  	v20 =	vmax.f32 v19, v11;
	v19 =	vmax.f32 v17, v11;
	v21 =	vmax.f32 v18, v11;
	v15 =	vld.idx.msk [tilespmem:v6+s13+$0x0], $0xffff  }
0x120: {  	_ =	sdelay $0x3  }
0x121: {  	v6 =	vld.idx.msk [tilespmem:v6+s14+$0x0], $0xffff;
	v17 =	vmin.f32 v17, v20;
	v20 =	vmin.f32 v8, v21;
	v7 =	vmul.f32 v7, v1  }
0x122: {  	v18 =	vmin.f32 v18, v19;
	v8 =	vmax.f32 v8, v11;
	v11 =	vld.idx.msk [tilespmem:v3+s15+$0x0], $0xffff;
	v19 =	vmax.f32 v20, v9  }
0x123: {  	v5 =	vmin.f32 v5, v8;
	v7 =	vadd.f32 v12, v7;
	v12 =	vadd.f32 v13, v16  }
0x124: {  	v21 =	vmax.f32 v18, v9;
	v16 =	vld.idx.msk [tilespmem:v3+s13+$0x0], $0xffff;
	v5 =	vmin.f32 v5, v19;
	v13 =	vmul.f32 v14, v0  }
0x125: {  	v8 =	vld.idx.msk [tilespmem:v3+s14+$0x0], $0xffff;
	v15 =	vmul.f32 v15, v1;
	v7 =	vadd.f32 v12, v7;
	v12 =	vmin.f32 v10, v9  }
0x126: {  	v10 =	vmax.f32 v10, v9;
	v9 =	vmax.f32 v17, v9;
	v6 =	vmul.f32 v6, v2  }
0x127: {  	v3 =	vld.idx.msk [tilespmem:v3+s17+$0x0], $0xffff;
	v14 =	vmin.f32 v20, v21;
	v9 =	vmin.f32 v18, v9;
	v11 =	vmul.f32 v11, v0  }
0x128: {  	v10 =	vmin.f32 v17, v10;
	v4 =	vadd.f32 v4, v15;
	v6 =	vadd.f32 v13, v6  }
0x129: {  	v13 =	vmax.f32 v10, v7;
	v15 =	vmul.f32 v16, v1;
	v16 =	vmax.f32 v9, v7  }
0x12a: {  	v1 =	vmul.f32 v1, v1;
	v4 =	vadd.f32 v6, v4;
	v6 =	vmul.f32 v8, v2  }
0x12b: {  	v9 =	vmin.f32 v9, v13;
	v8 =	vmin.f32 v12, v7;
	v12 =	vmax.f32 v12, v7  }
0x12c: {  	v3 =	vadd.f32 v3, v15;
	v7 =	vmax.f32 v14, v7;
	v6 =	vadd.f32 v11, v6  }
0x12d: {  	v2 =	vmul.f32 v2, v2;
	v10 =	vmin.f32 v10, v12;
	v12 =	vmin.f32 v14, v16  }
0x12e: {  	v11 =	vmax.f32 v12, v4;
	v13 =	vmax.f32 v9, v4;
	v3 =	vadd.f32 v6, v3  }
0x12f: {  	v6 =	vmin.f32 v8, v4;
	v8 =	vmax.f32 v8, v4;
	v4 =	vmax.f32 v10, v4  }
0x130: {  	v4 =	vmin.f32 v9, v4;
	v8 =	vmin.f32 v10, v8;
	v9 =	vmax.f32 v6, v3  }
0x131: {  	v6 =	vmin.f32 v6, v3;
	v10 =	vmax.f32 v8, v3;
	v8 =	vmin.f32 v8, v9  }
0x132: {  	v0 =	vmul.f32 v0, v0;
	v5 =	vmin.f32 v5, v7;
	v6 =	vadd.f32 v8, v6  }
0x133: {  	v1 =	vadd.f32 v2, v1;
	v8 =	vmax.f32 v4, v3;
	v4 =	vmin.f32 v4, v10  }
0x134: {  	s21 =	simm.s32 $0x0;
	v7 =	vmin.f32 v12, v13;
	v5 =	vmin.f32 v5, v11;
	v2 =	vadd.f32 v4, v6  }
0x135: {  	v0 =	vadd.f32 v0, v1;
	v4 =	vmin.f32 v7, v8;
	v6 =	vmov s21  }
0x136: {  	v3 =	vmax.f32 v7, v3;
	v1 =	vadd.f32 v4, v2;
	v2 =	vand.u32 $0xFFFFFFFE, v6  }
0x137: {  	v3 =	vmin.f32 v5, v3;
	v4 =	vbroadcast v2, $0x0  }
0x138: {  	v0 =	vmul.f32 $5.000000000e+00, v0;
	v1 =	vadd.f32 v3, v1;
	_ =	sdelay $0x1  }
0x139: {  	v2 =	vld [tilespmem:$0xC0];
	v0 =	vadd.f32 v1, v0  }
0x13a: {  	s28 =	simm.s32 $0x1;
	v1 =	vld [tilespmem:$0x40]  }
0x13b: {  	s22 =	simm.s32 $0x2;
	v3 =	vmov s28;
	[tilespmem:$0x11B0] =	vst v0;
	v0 =	vld [tilespmem:$0x140]  }
0x13c: {  	v6 =	vmov s22;
	v5 =	vld.idx.msk [tilespmem:v4+s17+$0x0], $0xffff  }
0x13d: {  	v6 =	vand.u32 $0xFFFFFFFE, v6;
	v7 =	vld.idx.msk [tilespmem:v4+s15+$0x0], $0xffff  }
0x13e: {  	v6 =	vbroadcast v6, $0x0;
	v8 =	vld.idx.msk [tilespmem:v4+s13+$0x0], $0xffff  }
0x13f: {  	v4 =	vld.idx.msk [tilespmem:v4+s14+$0x0], $0xffff  }
0x140: {  	v9 =	vld.idx.msk [tilespmem:v3+s15+$0x0], $0xffff  }
0x141: {  	v11 =	vld.idx.msk [tilespmem:v3+s14+$0x0], $0xffff  }
0x142: {  	v10 =	vld.idx.msk [tilespmem:v3+s13+$0x0], $0xffff  }
0x143: {  	s29 =	simm.s32 $0x3;
	v3 =	vld.idx.msk [tilespmem:v3+s17+$0x0], $0xffff;
	v8 =	vmul.f32 v8, v1  }
0x144: {  	s30 =	simm.s32 $0x4;
	v12 =	vmov s29;
	v13 =	vld.idx.msk [tilespmem:v6+s15+$0x0], $0xffff;
	v7 =	vmul.f32 v7, v0;
	v4 =	vmul.f32 v4, v2  }
0x145: {  	v14 =	vld.idx.msk [tilespmem:v6+s13+$0x0], $0xffff;
	v9 =	vmul.f32 v9, v0;
	v5 =	vadd.f32 v5, v8;
	v8 =	vmov s30  }
0x146: {  	v11 =	vmul.f32 v11, v2;
	v4 =	vadd.f32 v7, v4;
	v7 =	vld.idx.msk [tilespmem:v6+s14+$0x0], $0xffff;
	v8 =	vand.u32 $0xFFFFFFFE, v8  }
0x147: {  	v15 =	vld.idx.msk [tilespmem:v6+s17+$0x0], $0xffff;
	v10 =	vmul.f32 v10, v1;
	v6 =	vbroadcast v8, $0x0;
	_ =	sdelay $0x1  }
0x148: {  	v18 =	vld.idx.msk [tilespmem:v12+s15+$0x0], $0xffff;
	v3 =	vadd.f32 v3, v10;
	v9 =	vadd.f32 v9, v11  }
0x149: {  	v16 =	vimm.f32 $3.000000010e+38;
	v19 =	vld.idx.msk [tilespmem:v12+s14+$0x0], $0xffff;
	v14 =	vmul.f32 v14, v1;
	v4 =	vadd.f32 v4, v5  }
0x14a: {  	s31 =	simm.s32 $0x5;
	v10 =	vmul.f32 v13, v0;
	v11 =	vadd.f32 v9, v3;
	v17 =	vmul.f32 v7, v2;
	v7 =	vld.idx.msk [tilespmem:v12+s13+$0x0], $0xffff  }
0x14b: {  	v9 =	vadd.f32 v15, v14;
	v3 =	vmov s31;
	v13 =	vmax.f32 v16, v4;
	v12 =	vld.idx.msk [tilespmem:v12+s17+$0x0], $0xffff  }
0x14c: {  	v20 =	vmin.f32 v16, v4;
	v8 =	vmin.f32 v16, v13;
	v5 =	vmin.f32 v16, v13;
	v4 =	vld.idx.msk [tilespmem:v6+s17+$0x0], $0xffff  }
0x14d: {  	v10 =	vadd.f32 v10, v17;
	v17 =	vmin.f32 v16, v13;
	v13 =	vmul.f32 v18, v0;
	v14 =	vld.idx.msk [tilespmem:v6+s15+$0x0], $0xffff  }
0x14e: {  	v16 =	vmul.f32 v19, v2;
	v15 =	vld.idx.msk [tilespmem:v6+s13+$0x0], $0xffff;
	v19 =	vmax.f32 v17, v11;
	v21 =	vmax.f32 v17, v11  }
0x14f: {  	s21 =	simm.s32 $0x6;
	v18 =	vmovc v17;
	v9 =	vadd.f32 v10, v9;
	v10 =	vmin.f32 v20, v11;
	v20 =	vmax.f32 v20, v11  }
.LBB2_12:
0x150: {  	p0 =	sne.s32 s21, $0x3FE;
	v22 =	vld.idx.msk [tilespmem:v6+s14+$0x0], $0xffff;
	v17 =	vmin.f32 v17, v20;
	v18 =	vmin.f32 v18, v19;
	v19 =	vmin.f32 v8, v21;
	s22 =	smov.u32 s21;
	s21 =	sadd.s32 $0x2, s21  }
0x151: {  	v21 =	vmul.f32 v7, v1;
	v6 =	vmov s22;
	v20 =	vmax.f32 v19, v9  }
0x152: {  	v8 =	vmax.f32 v8, v11;
	v24 =	vmax.f32 v18, v9;
	v6 =	vand.u32 $0xFFFFFFFE, v6;
	v23 =	vld.idx.msk [tilespmem:v3+s15+$0x0], $0xffff  }
0x153: {  	v5 =	vmin.f32 v5, v8;
	v6 =	vbroadcast v6, $0x0;
	v7 =	vld.idx.msk [tilespmem:v3+s13+$0x0], $0xffff  }
0x154: {  	v11 =	vadd.f32 v12, v21;
	v12 =	vadd.f32 v13, v16;
	v25 =	vld.idx.msk [tilespmem:v3+s14+$0x0], $0xffff  }
0x155: {  	v8 =	vmin.f32 v19, v24;
	v5 =	vmin.f32 v5, v20;
	v13 =	vmul.f32 v14, v0  }
0x156: {  	v14 =	vmul.f32 v15, v1;
	v11 =	vadd.f32 v12, v11;
	v15 =	vmul.f32 v22, v2  }
.Ltmp5:
0x157: {  	v19 =	vmin.f32 v10, v9;
	v10 =	vmax.f32 v10, v9;
	v9 =	vmax.f32 v17, v9;
	(pc) =	sbr.rel @p0 .LBB2_12-.Ltmp5, $4  }
0x158: {  	s22 =	sadd.s32 $0x1, s22;
	v18 =	vmin.f32 v18, v9;
	v16 =	vadd.f32 v4, v14;
	v15 =	vadd.f32 v13, v15;
	v12 =	vld.idx.msk [tilespmem:v3+s17+$0x0], $0xffff  }
0x159: {  	v17 =	vmin.f32 v17, v10;
	v13 =	vmul.f32 v23, v0;
	v3 =	vmov s22;
	v4 =	vld.idx.msk [tilespmem:v6+s17+$0x0], $0xffff  }
0x15a: {  	v10 =	vmin.f32 v19, v11;
	v9 =	vadd.f32 v15, v16;
	v16 =	vmul.f32 v25, v2;
	v14 =	vld.idx.msk [tilespmem:v6+s15+$0x0], $0xffff  }
0x15b: {  	v20 =	vmax.f32 v19, v11;
	v19 =	vmax.f32 v17, v11;
	v21 =	vmax.f32 v18, v11;
	v15 =	vld.idx.msk [tilespmem:v6+s13+$0x0], $0xffff  }
0x15c: {  	_ =	sdelay $0x3  }
0x15d: {  	v6 =	vld.idx.msk [tilespmem:v6+s14+$0x0], $0xffff;
	v17 =	vmin.f32 v17, v20;
	v20 =	vmin.f32 v8, v21;
	v7 =	vmul.f32 v7, v1  }
0x15e: {  	v18 =	vmin.f32 v18, v19;
	v8 =	vmax.f32 v8, v11;
	v11 =	vld.idx.msk [tilespmem:v3+s15+$0x0], $0xffff;
	v19 =	vmax.f32 v20, v9  }
0x15f: {  	v5 =	vmin.f32 v5, v8;
	v7 =	vadd.f32 v12, v7;
	v12 =	vadd.f32 v13, v16  }
0x160: {  	v21 =	vmax.f32 v18, v9;
	v16 =	vld.idx.msk [tilespmem:v3+s13+$0x0], $0xffff;
	v5 =	vmin.f32 v5, v19;
	v13 =	vmul.f32 v14, v0  }
0x161: {  	v8 =	vld.idx.msk [tilespmem:v3+s14+$0x0], $0xffff;
	v15 =	vmul.f32 v15, v1;
	v7 =	vadd.f32 v12, v7;
	v12 =	vmin.f32 v10, v9  }
0x162: {  	v10 =	vmax.f32 v10, v9;
	v9 =	vmax.f32 v17, v9;
	v6 =	vmul.f32 v6, v2  }
0x163: {  	v3 =	vld.idx.msk [tilespmem:v3+s17+$0x0], $0xffff;
	v14 =	vmin.f32 v20, v21;
	v9 =	vmin.f32 v18, v9;
	v11 =	vmul.f32 v11, v0  }
0x164: {  	v10 =	vmin.f32 v17, v10;
	v4 =	vadd.f32 v4, v15;
	v6 =	vadd.f32 v13, v6  }
0x165: {  	v13 =	vmax.f32 v10, v7;
	v15 =	vmul.f32 v16, v1;
	v16 =	vmax.f32 v9, v7  }
0x166: {  	v1 =	vmul.f32 v1, v1;
	v4 =	vadd.f32 v6, v4;
	v6 =	vmul.f32 v8, v2  }
0x167: {  	v9 =	vmin.f32 v9, v13;
	v8 =	vmin.f32 v12, v7;
	v12 =	vmax.f32 v12, v7  }
0x168: {  	v3 =	vadd.f32 v3, v15;
	v7 =	vmax.f32 v14, v7;
	v6 =	vadd.f32 v11, v6  }
0x169: {  	v2 =	vmul.f32 v2, v2;
	v10 =	vmin.f32 v10, v12;
	v12 =	vmin.f32 v14, v16  }
0x16a: {  	v11 =	vmax.f32 v12, v4;
	v13 =	vmax.f32 v9, v4;
	v3 =	vadd.f32 v6, v3  }
0x16b: {  	v6 =	vmin.f32 v8, v4;
	v8 =	vmax.f32 v8, v4;
	v4 =	vmax.f32 v10, v4  }
0x16c: {  	v4 =	vmin.f32 v9, v4;
	v8 =	vmin.f32 v10, v8;
	v9 =	vmax.f32 v6, v3  }
0x16d: {  	v6 =	vmin.f32 v6, v3;
	v10 =	vmax.f32 v8, v3;
	v8 =	vmin.f32 v8, v9  }
0x16e: {  	v0 =	vmul.f32 v0, v0;
	v5 =	vmin.f32 v5, v7;
	v6 =	vadd.f32 v8, v6  }
0x16f: {  	v1 =	vadd.f32 v2, v1;
	v8 =	vmax.f32 v4, v3;
	v4 =	vmin.f32 v4, v10  }
0x170: {  	s21 =	simm.s32 $0x0;
	v7 =	vmin.f32 v12, v13;
	v5 =	vmin.f32 v5, v11;
	v2 =	vadd.f32 v4, v6  }
0x171: {  	v0 =	vadd.f32 v0, v1;
	v4 =	vmin.f32 v7, v8;
	v6 =	vmov s21  }
0x172: {  	v3 =	vmax.f32 v7, v3;
	v1 =	vadd.f32 v4, v2;
	v2 =	vand.u32 $0xFFFFFFFE, v6  }
0x173: {  	v3 =	vmin.f32 v5, v3;
	v4 =	vbroadcast v2, $0x0  }
0x174: {  	v0 =	vmul.f32 $5.000000000e+00, v0;
	v1 =	vadd.f32 v3, v1;
	_ =	sdelay $0x1  }
0x175: {  	v2 =	vld [tilespmem:$0xD0];
	v0 =	vadd.f32 v1, v0  }
0x176: {  	s28 =	simm.s32 $0x1;
	v1 =	vld [tilespmem:$0x50]  }
0x177: {  	s22 =	simm.s32 $0x2;
	v3 =	vmov s28;
	[tilespmem:$0x11C0] =	vst v0;
	v0 =	vld [tilespmem:$0x150]  }
0x178: {  	v6 =	vmov s22;
	v5 =	vld.idx.msk [tilespmem:v4+s17+$0x0], $0xffff  }
0x179: {  	v6 =	vand.u32 $0xFFFFFFFE, v6;
	v7 =	vld.idx.msk [tilespmem:v4+s15+$0x0], $0xffff  }
0x17a: {  	v6 =	vbroadcast v6, $0x0;
	v8 =	vld.idx.msk [tilespmem:v4+s13+$0x0], $0xffff  }
0x17b: {  	v4 =	vld.idx.msk [tilespmem:v4+s14+$0x0], $0xffff  }
0x17c: {  	v9 =	vld.idx.msk [tilespmem:v3+s15+$0x0], $0xffff  }
0x17d: {  	v11 =	vld.idx.msk [tilespmem:v3+s14+$0x0], $0xffff  }
0x17e: {  	v10 =	vld.idx.msk [tilespmem:v3+s13+$0x0], $0xffff  }
0x17f: {  	s29 =	simm.s32 $0x3;
	v3 =	vld.idx.msk [tilespmem:v3+s17+$0x0], $0xffff;
	v8 =	vmul.f32 v8, v1  }
0x180: {  	s30 =	simm.s32 $0x4;
	v12 =	vmov s29;
	v13 =	vld.idx.msk [tilespmem:v6+s15+$0x0], $0xffff;
	v7 =	vmul.f32 v7, v0;
	v4 =	vmul.f32 v4, v2  }
0x181: {  	v14 =	vld.idx.msk [tilespmem:v6+s13+$0x0], $0xffff;
	v9 =	vmul.f32 v9, v0;
	v5 =	vadd.f32 v5, v8;
	v8 =	vmov s30  }
0x182: {  	v11 =	vmul.f32 v11, v2;
	v4 =	vadd.f32 v7, v4;
	v7 =	vld.idx.msk [tilespmem:v6+s14+$0x0], $0xffff;
	v8 =	vand.u32 $0xFFFFFFFE, v8  }
0x183: {  	v15 =	vld.idx.msk [tilespmem:v6+s17+$0x0], $0xffff;
	v10 =	vmul.f32 v10, v1;
	v6 =	vbroadcast v8, $0x0;
	_ =	sdelay $0x1  }
0x184: {  	v18 =	vld.idx.msk [tilespmem:v12+s15+$0x0], $0xffff;
	v3 =	vadd.f32 v3, v10;
	v9 =	vadd.f32 v9, v11  }
0x185: {  	v16 =	vimm.f32 $3.000000010e+38;
	v19 =	vld.idx.msk [tilespmem:v12+s14+$0x0], $0xffff;
	v14 =	vmul.f32 v14, v1;
	v4 =	vadd.f32 v4, v5  }
0x186: {  	s31 =	simm.s32 $0x5;
	v10 =	vmul.f32 v13, v0;
	v11 =	vadd.f32 v9, v3;
	v17 =	vmul.f32 v7, v2;
	v7 =	vld.idx.msk [tilespmem:v12+s13+$0x0], $0xffff  }
0x187: {  	v9 =	vadd.f32 v15, v14;
	v3 =	vmov s31;
	v13 =	vmax.f32 v16, v4;
	v12 =	vld.idx.msk [tilespmem:v12+s17+$0x0], $0xffff  }
0x188: {  	v20 =	vmin.f32 v16, v4;
	v8 =	vmin.f32 v16, v13;
	v5 =	vmin.f32 v16, v13;
	v4 =	vld.idx.msk [tilespmem:v6+s17+$0x0], $0xffff  }
0x189: {  	v10 =	vadd.f32 v10, v17;
	v17 =	vmin.f32 v16, v13;
	v13 =	vmul.f32 v18, v0;
	v14 =	vld.idx.msk [tilespmem:v6+s15+$0x0], $0xffff  }
0x18a: {  	v16 =	vmul.f32 v19, v2;
	v15 =	vld.idx.msk [tilespmem:v6+s13+$0x0], $0xffff;
	v19 =	vmax.f32 v17, v11;
	v21 =	vmax.f32 v17, v11  }
0x18b: {  	s21 =	simm.s32 $0x6;
	v18 =	vmovc v17;
	v9 =	vadd.f32 v10, v9;
	v10 =	vmin.f32 v20, v11;
	v20 =	vmax.f32 v20, v11  }
.LBB2_14:
0x18c: {  	p0 =	sne.s32 s21, $0x3FE;
	v22 =	vld.idx.msk [tilespmem:v6+s14+$0x0], $0xffff;
	v17 =	vmin.f32 v17, v20;
	v18 =	vmin.f32 v18, v19;
	v19 =	vmin.f32 v8, v21;
	s22 =	smov.u32 s21;
	s21 =	sadd.s32 $0x2, s21  }
0x18d: {  	v21 =	vmul.f32 v7, v1;
	v6 =	vmov s22;
	v20 =	vmax.f32 v19, v9  }
0x18e: {  	v8 =	vmax.f32 v8, v11;
	v24 =	vmax.f32 v18, v9;
	v6 =	vand.u32 $0xFFFFFFFE, v6;
	v23 =	vld.idx.msk [tilespmem:v3+s15+$0x0], $0xffff  }
0x18f: {  	v5 =	vmin.f32 v5, v8;
	v6 =	vbroadcast v6, $0x0;
	v7 =	vld.idx.msk [tilespmem:v3+s13+$0x0], $0xffff  }
0x190: {  	v11 =	vadd.f32 v12, v21;
	v12 =	vadd.f32 v13, v16;
	v25 =	vld.idx.msk [tilespmem:v3+s14+$0x0], $0xffff  }
0x191: {  	v8 =	vmin.f32 v19, v24;
	v5 =	vmin.f32 v5, v20;
	v13 =	vmul.f32 v14, v0  }
0x192: {  	v14 =	vmul.f32 v15, v1;
	v11 =	vadd.f32 v12, v11;
	v15 =	vmul.f32 v22, v2  }
.Ltmp6:
0x193: {  	v19 =	vmin.f32 v10, v9;
	v10 =	vmax.f32 v10, v9;
	v9 =	vmax.f32 v17, v9;
	(pc) =	sbr.rel @p0 .LBB2_14-.Ltmp6, $4  }
0x194: {  	s22 =	sadd.s32 $0x1, s22;
	v18 =	vmin.f32 v18, v9;
	v16 =	vadd.f32 v4, v14;
	v15 =	vadd.f32 v13, v15;
	v12 =	vld.idx.msk [tilespmem:v3+s17+$0x0], $0xffff  }
0x195: {  	v17 =	vmin.f32 v17, v10;
	v13 =	vmul.f32 v23, v0;
	v3 =	vmov s22;
	v4 =	vld.idx.msk [tilespmem:v6+s17+$0x0], $0xffff  }
0x196: {  	v10 =	vmin.f32 v19, v11;
	v9 =	vadd.f32 v15, v16;
	v16 =	vmul.f32 v25, v2;
	v14 =	vld.idx.msk [tilespmem:v6+s15+$0x0], $0xffff  }
0x197: {  	v20 =	vmax.f32 v19, v11;
	v19 =	vmax.f32 v17, v11;
	v21 =	vmax.f32 v18, v11;
	v15 =	vld.idx.msk [tilespmem:v6+s13+$0x0], $0xffff  }
0x198: {  	_ =	sdelay $0x3  }
0x199: {  	v6 =	vld.idx.msk [tilespmem:v6+s14+$0x0], $0xffff;
	v17 =	vmin.f32 v17, v20;
	v20 =	vmin.f32 v8, v21;
	v7 =	vmul.f32 v7, v1  }
0x19a: {  	v18 =	vmin.f32 v18, v19;
	v8 =	vmax.f32 v8, v11;
	v11 =	vld.idx.msk [tilespmem:v3+s15+$0x0], $0xffff;
	v19 =	vmax.f32 v20, v9  }
0x19b: {  	v5 =	vmin.f32 v5, v8;
	v7 =	vadd.f32 v12, v7;
	v12 =	vadd.f32 v13, v16  }
0x19c: {  	v21 =	vmax.f32 v18, v9;
	v16 =	vld.idx.msk [tilespmem:v3+s13+$0x0], $0xffff;
	v5 =	vmin.f32 v5, v19;
	v13 =	vmul.f32 v14, v0  }
0x19d: {  	v8 =	vld.idx.msk [tilespmem:v3+s14+$0x0], $0xffff;
	v15 =	vmul.f32 v15, v1;
	v7 =	vadd.f32 v12, v7;
	v12 =	vmin.f32 v10, v9  }
0x19e: {  	v10 =	vmax.f32 v10, v9;
	v9 =	vmax.f32 v17, v9;
	v6 =	vmul.f32 v6, v2  }
0x19f: {  	v3 =	vld.idx.msk [tilespmem:v3+s17+$0x0], $0xffff;
	v14 =	vmin.f32 v20, v21;
	v9 =	vmin.f32 v18, v9;
	v11 =	vmul.f32 v11, v0  }
0x1a0: {  	v10 =	vmin.f32 v17, v10;
	v4 =	vadd.f32 v4, v15;
	v6 =	vadd.f32 v13, v6  }
0x1a1: {  	v13 =	vmax.f32 v10, v7;
	v15 =	vmul.f32 v16, v1;
	v16 =	vmax.f32 v9, v7  }
0x1a2: {  	v1 =	vmul.f32 v1, v1;
	v4 =	vadd.f32 v6, v4;
	v6 =	vmul.f32 v8, v2  }
0x1a3: {  	v9 =	vmin.f32 v9, v13;
	v8 =	vmin.f32 v12, v7;
	v12 =	vmax.f32 v12, v7  }
0x1a4: {  	v3 =	vadd.f32 v3, v15;
	v7 =	vmax.f32 v14, v7;
	v6 =	vadd.f32 v11, v6  }
0x1a5: {  	v2 =	vmul.f32 v2, v2;
	v10 =	vmin.f32 v10, v12;
	v12 =	vmin.f32 v14, v16  }
0x1a6: {  	v11 =	vmax.f32 v12, v4;
	v13 =	vmax.f32 v9, v4;
	v3 =	vadd.f32 v6, v3  }
0x1a7: {  	v6 =	vmin.f32 v8, v4;
	v8 =	vmax.f32 v8, v4;
	v4 =	vmax.f32 v10, v4  }
0x1a8: {  	v4 =	vmin.f32 v9, v4;
	v8 =	vmin.f32 v10, v8;
	v9 =	vmax.f32 v6, v3  }
0x1a9: {  	v6 =	vmin.f32 v6, v3;
	v10 =	vmax.f32 v8, v3;
	v8 =	vmin.f32 v8, v9  }
0x1aa: {  	v0 =	vmul.f32 v0, v0;
	v5 =	vmin.f32 v5, v7;
	v6 =	vadd.f32 v8, v6  }
0x1ab: {  	v1 =	vadd.f32 v2, v1;
	v8 =	vmax.f32 v4, v3;
	v4 =	vmin.f32 v4, v10  }
0x1ac: {  	s21 =	simm.s32 $0x0;
	v7 =	vmin.f32 v12, v13;
	v5 =	vmin.f32 v5, v11;
	v2 =	vadd.f32 v4, v6  }
0x1ad: {  	v0 =	vadd.f32 v0, v1;
	v4 =	vmin.f32 v7, v8;
	v6 =	vmov s21  }
0x1ae: {  	v3 =	vmax.f32 v7, v3;
	v1 =	vadd.f32 v4, v2;
	v2 =	vand.u32 $0xFFFFFFFE, v6  }
0x1af: {  	v3 =	vmin.f32 v5, v3;
	v4 =	vbroadcast v2, $0x0  }
0x1b0: {  	v0 =	vmul.f32 $5.000000000e+00, v0;
	v1 =	vadd.f32 v3, v1;
	_ =	sdelay $0x1  }
0x1b1: {  	v2 =	vld [tilespmem:$0xE0];
	v0 =	vadd.f32 v1, v0  }
0x1b2: {  	s28 =	simm.s32 $0x1;
	v1 =	vld [tilespmem:$0x60]  }
0x1b3: {  	s22 =	simm.s32 $0x2;
	v3 =	vmov s28;
	[tilespmem:$0x11D0] =	vst v0;
	v0 =	vld [tilespmem:$0x160]  }
0x1b4: {  	v6 =	vmov s22;
	v5 =	vld.idx.msk [tilespmem:v4+s17+$0x0], $0xffff  }
0x1b5: {  	v6 =	vand.u32 $0xFFFFFFFE, v6;
	v7 =	vld.idx.msk [tilespmem:v4+s15+$0x0], $0xffff  }
0x1b6: {  	v6 =	vbroadcast v6, $0x0;
	v8 =	vld.idx.msk [tilespmem:v4+s13+$0x0], $0xffff  }
0x1b7: {  	v4 =	vld.idx.msk [tilespmem:v4+s14+$0x0], $0xffff  }
0x1b8: {  	v9 =	vld.idx.msk [tilespmem:v3+s15+$0x0], $0xffff  }
0x1b9: {  	v11 =	vld.idx.msk [tilespmem:v3+s14+$0x0], $0xffff  }
0x1ba: {  	v10 =	vld.idx.msk [tilespmem:v3+s13+$0x0], $0xffff  }
0x1bb: {  	s29 =	simm.s32 $0x3;
	v3 =	vld.idx.msk [tilespmem:v3+s17+$0x0], $0xffff;
	v8 =	vmul.f32 v8, v1  }
0x1bc: {  	s30 =	simm.s32 $0x4;
	v12 =	vmov s29;
	v13 =	vld.idx.msk [tilespmem:v6+s15+$0x0], $0xffff;
	v7 =	vmul.f32 v7, v0;
	v4 =	vmul.f32 v4, v2  }
0x1bd: {  	v14 =	vld.idx.msk [tilespmem:v6+s13+$0x0], $0xffff;
	v9 =	vmul.f32 v9, v0;
	v5 =	vadd.f32 v5, v8;
	v8 =	vmov s30  }
0x1be: {  	v11 =	vmul.f32 v11, v2;
	v4 =	vadd.f32 v7, v4;
	v7 =	vld.idx.msk [tilespmem:v6+s14+$0x0], $0xffff;
	v8 =	vand.u32 $0xFFFFFFFE, v8  }
0x1bf: {  	v15 =	vld.idx.msk [tilespmem:v6+s17+$0x0], $0xffff;
	v10 =	vmul.f32 v10, v1;
	v6 =	vbroadcast v8, $0x0;
	_ =	sdelay $0x1  }
0x1c0: {  	v18 =	vld.idx.msk [tilespmem:v12+s15+$0x0], $0xffff;
	v3 =	vadd.f32 v3, v10;
	v9 =	vadd.f32 v9, v11  }
0x1c1: {  	v16 =	vimm.f32 $3.000000010e+38;
	v19 =	vld.idx.msk [tilespmem:v12+s14+$0x0], $0xffff;
	v14 =	vmul.f32 v14, v1;
	v4 =	vadd.f32 v4, v5  }
0x1c2: {  	s31 =	simm.s32 $0x5;
	v10 =	vmul.f32 v13, v0;
	v11 =	vadd.f32 v9, v3;
	v17 =	vmul.f32 v7, v2;
	v7 =	vld.idx.msk [tilespmem:v12+s13+$0x0], $0xffff  }
0x1c3: {  	v9 =	vadd.f32 v15, v14;
	v3 =	vmov s31;
	v13 =	vmax.f32 v16, v4;
	v12 =	vld.idx.msk [tilespmem:v12+s17+$0x0], $0xffff  }
0x1c4: {  	v20 =	vmin.f32 v16, v4;
	v8 =	vmin.f32 v16, v13;
	v5 =	vmin.f32 v16, v13;
	v4 =	vld.idx.msk [tilespmem:v6+s17+$0x0], $0xffff  }
0x1c5: {  	v10 =	vadd.f32 v10, v17;
	v17 =	vmin.f32 v16, v13;
	v13 =	vmul.f32 v18, v0;
	v14 =	vld.idx.msk [tilespmem:v6+s15+$0x0], $0xffff  }
0x1c6: {  	v16 =	vmul.f32 v19, v2;
	v15 =	vld.idx.msk [tilespmem:v6+s13+$0x0], $0xffff;
	v19 =	vmax.f32 v17, v11;
	v21 =	vmax.f32 v17, v11  }
0x1c7: {  	s21 =	simm.s32 $0x6;
	v18 =	vmovc v17;
	v9 =	vadd.f32 v10, v9;
	v10 =	vmin.f32 v20, v11;
	v20 =	vmax.f32 v20, v11  }
.LBB2_16:
0x1c8: {  	p0 =	sne.s32 s21, $0x3FE;
	v22 =	vld.idx.msk [tilespmem:v6+s14+$0x0], $0xffff;
	v17 =	vmin.f32 v17, v20;
	v18 =	vmin.f32 v18, v19;
	v19 =	vmin.f32 v8, v21;
	s22 =	smov.u32 s21;
	s21 =	sadd.s32 $0x2, s21  }
0x1c9: {  	v21 =	vmul.f32 v7, v1;
	v6 =	vmov s22;
	v20 =	vmax.f32 v19, v9  }
0x1ca: {  	v8 =	vmax.f32 v8, v11;
	v24 =	vmax.f32 v18, v9;
	v6 =	vand.u32 $0xFFFFFFFE, v6;
	v23 =	vld.idx.msk [tilespmem:v3+s15+$0x0], $0xffff  }
0x1cb: {  	v5 =	vmin.f32 v5, v8;
	v6 =	vbroadcast v6, $0x0;
	v7 =	vld.idx.msk [tilespmem:v3+s13+$0x0], $0xffff  }
0x1cc: {  	v11 =	vadd.f32 v12, v21;
	v12 =	vadd.f32 v13, v16;
	v25 =	vld.idx.msk [tilespmem:v3+s14+$0x0], $0xffff  }
0x1cd: {  	v8 =	vmin.f32 v19, v24;
	v5 =	vmin.f32 v5, v20;
	v13 =	vmul.f32 v14, v0  }
0x1ce: {  	v14 =	vmul.f32 v15, v1;
	v11 =	vadd.f32 v12, v11;
	v15 =	vmul.f32 v22, v2  }
.Ltmp7:
0x1cf: {  	v19 =	vmin.f32 v10, v9;
	v10 =	vmax.f32 v10, v9;
	v9 =	vmax.f32 v17, v9;
	(pc) =	sbr.rel @p0 .LBB2_16-.Ltmp7, $4  }
0x1d0: {  	s22 =	sadd.s32 $0x1, s22;
	v18 =	vmin.f32 v18, v9;
	v16 =	vadd.f32 v4, v14;
	v15 =	vadd.f32 v13, v15;
	v12 =	vld.idx.msk [tilespmem:v3+s17+$0x0], $0xffff  }
0x1d1: {  	v17 =	vmin.f32 v17, v10;
	v13 =	vmul.f32 v23, v0;
	v3 =	vmov s22;
	v4 =	vld.idx.msk [tilespmem:v6+s17+$0x0], $0xffff  }
0x1d2: {  	v10 =	vmin.f32 v19, v11;
	v9 =	vadd.f32 v15, v16;
	v16 =	vmul.f32 v25, v2;
	v14 =	vld.idx.msk [tilespmem:v6+s15+$0x0], $0xffff  }
0x1d3: {  	v20 =	vmax.f32 v19, v11;
	v19 =	vmax.f32 v17, v11;
	v21 =	vmax.f32 v18, v11;
	v15 =	vld.idx.msk [tilespmem:v6+s13+$0x0], $0xffff  }
0x1d4: {  	_ =	sdelay $0x3  }
0x1d5: {  	v6 =	vld.idx.msk [tilespmem:v6+s14+$0x0], $0xffff;
	v17 =	vmin.f32 v17, v20;
	v20 =	vmin.f32 v8, v21;
	v7 =	vmul.f32 v7, v1  }
0x1d6: {  	v18 =	vmin.f32 v18, v19;
	v8 =	vmax.f32 v8, v11;
	v11 =	vld.idx.msk [tilespmem:v3+s15+$0x0], $0xffff;
	v19 =	vmax.f32 v20, v9  }
0x1d7: {  	v5 =	vmin.f32 v5, v8;
	v7 =	vadd.f32 v12, v7;
	v12 =	vadd.f32 v13, v16  }
0x1d8: {  	v21 =	vmax.f32 v18, v9;
	v16 =	vld.idx.msk [tilespmem:v3+s13+$0x0], $0xffff;
	v5 =	vmin.f32 v5, v19;
	v13 =	vmul.f32 v14, v0  }
0x1d9: {  	v8 =	vld.idx.msk [tilespmem:v3+s14+$0x0], $0xffff;
	v15 =	vmul.f32 v15, v1;
	v7 =	vadd.f32 v12, v7;
	v12 =	vmin.f32 v10, v9  }
0x1da: {  	v10 =	vmax.f32 v10, v9;
	v9 =	vmax.f32 v17, v9;
	v6 =	vmul.f32 v6, v2  }
0x1db: {  	v3 =	vld.idx.msk [tilespmem:v3+s17+$0x0], $0xffff;
	v14 =	vmin.f32 v20, v21;
	v9 =	vmin.f32 v18, v9;
	v11 =	vmul.f32 v11, v0  }
0x1dc: {  	v10 =	vmin.f32 v17, v10;
	v4 =	vadd.f32 v4, v15;
	v6 =	vadd.f32 v13, v6  }
0x1dd: {  	v13 =	vmax.f32 v10, v7;
	v15 =	vmul.f32 v16, v1;
	v16 =	vmax.f32 v9, v7  }
0x1de: {  	v1 =	vmul.f32 v1, v1;
	v4 =	vadd.f32 v6, v4;
	v6 =	vmul.f32 v8, v2  }
0x1df: {  	v9 =	vmin.f32 v9, v13;
	v8 =	vmin.f32 v12, v7;
	v12 =	vmax.f32 v12, v7  }
0x1e0: {  	v3 =	vadd.f32 v3, v15;
	v7 =	vmax.f32 v14, v7;
	v6 =	vadd.f32 v11, v6  }
0x1e1: {  	v2 =	vmul.f32 v2, v2;
	v10 =	vmin.f32 v10, v12;
	v12 =	vmin.f32 v14, v16  }
0x1e2: {  	v11 =	vmax.f32 v12, v4;
	v13 =	vmax.f32 v9, v4;
	v3 =	vadd.f32 v6, v3  }
0x1e3: {  	v6 =	vmin.f32 v8, v4;
	v8 =	vmax.f32 v8, v4;
	v4 =	vmax.f32 v10, v4  }
0x1e4: {  	v4 =	vmin.f32 v9, v4;
	v8 =	vmin.f32 v10, v8;
	v9 =	vmax.f32 v6, v3  }
0x1e5: {  	v6 =	vmin.f32 v6, v3;
	v10 =	vmax.f32 v8, v3;
	v8 =	vmin.f32 v8, v9  }
0x1e6: {  	v0 =	vmul.f32 v0, v0;
	v5 =	vmin.f32 v5, v7;
	v6 =	vadd.f32 v8, v6  }
0x1e7: {  	v1 =	vadd.f32 v2, v1;
	v8 =	vmax.f32 v4, v3;
	v4 =	vmin.f32 v4, v10  }
0x1e8: {  	s21 =	simm.s32 $0x0;
	v7 =	vmin.f32 v12, v13;
	v5 =	vmin.f32 v5, v11;
	v2 =	vadd.f32 v4, v6  }
0x1e9: {  	v0 =	vadd.f32 v0, v1;
	v4 =	vmin.f32 v7, v8;
	v6 =	vmov s21  }
0x1ea: {  	v3 =	vmax.f32 v7, v3;
	v1 =	vadd.f32 v4, v2;
	v2 =	vand.u32 $0xFFFFFFFE, v6  }
0x1eb: {  	v3 =	vmin.f32 v5, v3;
	v4 =	vbroadcast v2, $0x0  }
0x1ec: {  	v0 =	vmul.f32 $5.000000000e+00, v0;
	v1 =	vadd.f32 v3, v1;
	_ =	sdelay $0x1  }
0x1ed: {  	v2 =	vld [tilespmem:$0xF0];
	v0 =	vadd.f32 v1, v0  }
0x1ee: {  	s28 =	simm.s32 $0x1;
	v1 =	vld [tilespmem:$0x70]  }
0x1ef: {  	s22 =	simm.s32 $0x2;
	v3 =	vmov s28;
	[tilespmem:$0x11E0] =	vst v0;
	v0 =	vld [tilespmem:$0x170]  }
0x1f0: {  	v6 =	vmov s22;
	v5 =	vld.idx.msk [tilespmem:v4+s17+$0x0], $0xffff  }
0x1f1: {  	v6 =	vand.u32 $0xFFFFFFFE, v6;
	v7 =	vld.idx.msk [tilespmem:v4+s15+$0x0], $0xffff  }
0x1f2: {  	v6 =	vbroadcast v6, $0x0;
	v8 =	vld.idx.msk [tilespmem:v4+s13+$0x0], $0xffff  }
0x1f3: {  	v4 =	vld.idx.msk [tilespmem:v4+s14+$0x0], $0xffff  }
0x1f4: {  	v9 =	vld.idx.msk [tilespmem:v3+s15+$0x0], $0xffff  }
0x1f5: {  	v10 =	vld.idx.msk [tilespmem:v3+s13+$0x0], $0xffff  }
0x1f6: {  	v11 =	vld.idx.msk [tilespmem:v3+s14+$0x0], $0xffff  }
0x1f7: {  	s29 =	simm.s32 $0x3;
	v3 =	vld.idx.msk [tilespmem:v3+s17+$0x0], $0xffff  }
0x1f8: {  	v12 =	vmov s29;
	v13 =	vld.idx.msk [tilespmem:v6+s15+$0x0], $0xffff;
	v7 =	vmul.f32 v7, v0;
	v8 =	vmul.f32 v8, v1  }
0x1f9: {  	s30 =	simm.s32 $0x4;
	v14 =	vld.idx.msk [tilespmem:v6+s13+$0x0], $0xffff;
	v4 =	vmul.f32 v4, v2;
	v9 =	vmul.f32 v9, v0  }
0x1fa: {  	v10 =	vmul.f32 v10, v1;
	v5 =	vadd.f32 v5, v8;
	v8 =	vmov s30  }
0x1fb: {  	v11 =	vmul.f32 v11, v2;
	v4 =	vadd.f32 v7, v4;
	v7 =	vld.idx.msk [tilespmem:v6+s14+$0x0], $0xffff;
	v8 =	vand.u32 $0xFFFFFFFE, v8  }
0x1fc: {  	v6 =	vld.idx.msk [tilespmem:v6+s17+$0x0], $0xffff;
	v3 =	vadd.f32 v3, v10;
	v8 =	vbroadcast v8, $0x0  }
0x1fd: {  	v16 =	vld.idx.msk [tilespmem:v12+s15+$0x0], $0xffff;
	v10 =	vadd.f32 v9, v11;
	v4 =	vadd.f32 v4, v5  }
0x1fe: {  	s31 =	simm.s32 $0x5;
	v15 =	vimm.f32 $3.000000010e+38;
	v18 =	vld.idx.msk [tilespmem:v12+s14+$0x0], $0xffff;
	v13 =	vmul.f32 v13, v0;
	v14 =	vmul.f32 v14, v1  }
0x1ff: {  	v11 =	vadd.f32 v10, v3;
	v3 =	vmov s31;
	v17 =	vmax.f32 v15, v4  }
0x200: {  	v20 =	vmin.f32 v15, v4;
	v19 =	vmul.f32 v7, v2;
	v7 =	vld.idx.msk [tilespmem:v12+s13+$0x0], $0xffff;
	v9 =	vmin.f32 v15, v17  }
0x201: {  	v5 =	vmin.f32 v15, v17;
	v6 =	vadd.f32 v6, v14;
	v12 =	vld.idx.msk [tilespmem:v12+s17+$0x0], $0xffff;
	v17 =	vmin.f32 v15, v17  }
0x202: {  	v21 =	vmax.f32 v17, v11;
	v10 =	vadd.f32 v13, v19;
	v13 =	vmul.f32 v16, v0;
	v4 =	vld.idx.msk [tilespmem:v8+s17+$0x0], $0xffff  }
0x203: {  	v16 =	vmul.f32 v18, v2;
	v19 =	vmax.f32 v20, v11;
	v18 =	vmov v17;
	v14 =	vld.idx.msk [tilespmem:v8+s15+$0x0], $0xffff  }
0x204: {  	s21 =	simm.s32 $0x6;
	v15 =	vld.idx.msk [tilespmem:v8+s13+$0x0], $0xffff;
	v6 =	vadd.f32 v10, v6;
	v10 =	vmin.f32 v20, v11;
	v20 =	vmax.f32 v17, v11  }
.LBB2_18:
0x205: {  	p0 =	sne.s32 s21, $0x3FE;
	v22 =	vld.idx.msk [tilespmem:v8+s14+$0x0], $0xffff;
	v17 =	vmin.f32 v17, v19;
	v18 =	vmin.f32 v18, v20;
	v19 =	vmin.f32 v9, v21;
	s22 =	smov.u32 s21;
	s21 =	sadd.s32 $0x2, s21  }
0x206: {  	v21 =	vmul.f32 v7, v1;
	v8 =	vmov s22;
	v20 =	vmax.f32 v19, v6  }
0x207: {  	v9 =	vmax.f32 v9, v11;
	v24 =	vmax.f32 v18, v6;
	v7 =	vand.u32 $0xFFFFFFFE, v8;
	v23 =	vld.idx.msk [tilespmem:v3+s15+$0x0], $0xffff  }
0x208: {  	v5 =	vmin.f32 v5, v9;
	v8 =	vbroadcast v7, $0x0;
	v7 =	vld.idx.msk [tilespmem:v3+s13+$0x0], $0xffff  }
0x209: {  	v11 =	vadd.f32 v12, v21;
	v12 =	vadd.f32 v13, v16;
	v25 =	vld.idx.msk [tilespmem:v3+s14+$0x0], $0xffff  }
0x20a: {  	v9 =	vmin.f32 v19, v24;
	v5 =	vmin.f32 v5, v20;
	v13 =	vmul.f32 v14, v0  }
0x20b: {  	v14 =	vmul.f32 v15, v1;
	v11 =	vadd.f32 v12, v11;
	v15 =	vmul.f32 v22, v2  }
.Ltmp8:
0x20c: {  	v19 =	vmin.f32 v10, v6;
	v10 =	vmax.f32 v10, v6;
	v6 =	vmax.f32 v17, v6;
	(pc) =	sbr.rel @p0 .LBB2_18-.Ltmp8, $4  }
0x20d: {  	s22 =	sadd.s32 $0x1, s22;
	v18 =	vmin.f32 v18, v6;
	v16 =	vadd.f32 v4, v14;
	v15 =	vadd.f32 v13, v15;
	v12 =	vld.idx.msk [tilespmem:v3+s17+$0x0], $0xffff  }
0x20e: {  	v17 =	vmin.f32 v17, v10;
	v13 =	vmul.f32 v23, v0;
	v3 =	vmov s22;
	v4 =	vld.idx.msk [tilespmem:v8+s17+$0x0], $0xffff  }
0x20f: {  	v10 =	vmin.f32 v19, v11;
	v6 =	vadd.f32 v15, v16;
	v16 =	vmul.f32 v25, v2;
	v14 =	vld.idx.msk [tilespmem:v8+s15+$0x0], $0xffff  }
0x210: {  	v19 =	vmax.f32 v19, v11;
	v20 =	vmax.f32 v17, v11;
	v21 =	vmax.f32 v18, v11;
	v15 =	vld.idx.msk [tilespmem:v8+s13+$0x0], $0xffff  }
0x211: {  	_ =	sdelay $0x3  }
0x212: {  	v8 =	vld.idx.msk [tilespmem:v8+s14+$0x0], $0xffff;
	v17 =	vmin.f32 v17, v19;
	v18 =	vmin.f32 v18, v20;
	v26 =	vmin.f32 v9, v21  }
0x213: {  	v7 =	vmul.f32 v7, v1;
	v27 =	vmax.f32 v9, v11;
	v29 =	vld.idx.msk [tilespmem:v3+s15+$0x0], $0xffff;
	v32 =	vadd.f32 v13, v16  }
0x214: {  	v31 =	vld.idx.msk [tilespmem:v3+s14+$0x0], $0xffff;
	v36 =	vmin.f32 v10, v6;
	v39 =	vmax.f32 v10, v6;
	v54 =	vmul.f32 v1, v1  }
0x215: {  	v34 =	vld.idx.msk [tilespmem:v3+s13+$0x0], $0xffff;
	v55 =	vmul.f32 v2, v2;
	v28 =	vmax.f32 v26, v6;
	v30 =	vmax.f32 v18, v6  }
0x216: {  	v5 =	vmin.f32 v5, v27;
	v37 =	vmax.f32 v17, v6;
	v6 =	vmin.f32 v17, v39  }
0x217: {  	v38 =	vld.idx.msk [tilespmem:v3+s17+$0x0], $0xffff;
	v7 =	vadd.f32 v12, v7;
	v35 =	vmin.f32 v26, v30;
	v5 =	vmin.f32 v5, v28  }
0x218: {  	v40 =	vmin.f32 v18, v37;
	v33 =	vmul.f32 v14, v0;
	v15 =	vmul.f32 v15, v1  }
0x219: {  	v7 =	vadd.f32 v32, v7;
	v8 =	vmul.f32 v8, v2;
	v41 =	vmul.f32 v29, v0  }
0x21a: {  	v42 =	vmul.f32 v31, v2;
	v44 =	vmul.f32 v34, v1;
	v4 =	vadd.f32 v4, v15  }
0x21b: {  	v43 =	vmin.f32 v36, v7;
	v11 =	vmax.f32 v36, v7;
	v8 =	vadd.f32 v33, v8  }
0x21c: {  	v45 =	vmax.f32 v6, v7;
	v46 =	vmax.f32 v40, v7;
	v3 =	vadd.f32 v38, v44  }
0x21d: {  	v7 =	vmax.f32 v35, v7;
	v4 =	vadd.f32 v8, v4;
	v8 =	vadd.f32 v41, v42  }
0x21e: {  	v6 =	vmin.f32 v6, v11;
	v47 =	vmin.f32 v35, v46;
	v10 =	vmin.f32 v40, v45  }
0x21f: {  	v5 =	vmin.f32 v5, v7;
	v48 =	vmax.f32 v47, v4;
	v3 =	vadd.f32 v8, v3  }
0x220: {  	v49 =	vmax.f32 v10, v4;
	v50 =	vmin.f32 v43, v4;
	v51 =	vmax.f32 v43, v4  }
0x221: {  	v4 =	vmax.f32 v6, v4;
	v6 =	vmin.f32 v6, v51;
	v52 =	vmax.f32 v50, v3  }
0x222: {  	v7 =	vmin.f32 v50, v3;
	v53 =	vmax.f32 v6, v3;
	v6 =	vmin.f32 v6, v52  }
0x223: {  	v58 =	vmul.f32 v0, v0;
	v4 =	vmin.f32 v10, v4;
	v6 =	vadd.f32 v6, v7  }
0x224: {  	v1 =	vadd.f32 v55, v54;
	v57 =	vmax.f32 v4, v3;
	v4 =	vmin.f32 v4, v53  }
0x225: {  	v56 =	vmin.f32 v47, v49;
	v59 =	vadd.f32 v4, v6  }
0x226: {  	v0 =	vadd.f32 v58, v1;
	v61 =	vmin.f32 v56, v57  }
0x227: {  	v60 =	vmin.f32 v5, v48;
	v3 =	vmax.f32 v56, v3;
	v62 =	vadd.f32 v61, v59  }
0x228: {  	v63 =	vmin.f32 v60, v3  }
0x229: {  	v0 =	vmul.f32 $5.000000000e+00, v0;
	v1 =	vadd.f32 v63, v62;
	_ =	sdelay $0x1  }
0x22a: {  	s20 =	sadd.s32 $0x1, s20;
	v0 =	vadd.f32 v1, v0  }
0x22b: {  	p0 =	sne.s32 s20, s10  }
.Ltmp9:
0x22c: {  	[tilespmem:$0x11F0] =	vst v0;
	(pc) =	sbr.rel @p0 .LBB2_1-.Ltmp9, $4  }
0x22d: {  	[hbm4b:s9+s2] =	stream.linear.scatter [tilespmem:s18], [sflag:$0x2], $0x80, $0x38;
	[tilespmem:$0x1200] =	vst v63  }
0x22e: {  	_ =	swait.ge [sflag:s19], $0x80  }
0x22f: {  	[sflag:s19] =	ssyncset.done $0x0  }
0x230: {  	[sflag:s19] =	ssyncadd.s32 $0xFFFFFF80  }
0x231: {  	_ =	sfence.sel $0x180000  }
0x232: {  	[bflag:$0x0] =	sbarrier.arrive $0xFFFF  }
0x233: {  	p0 =	sne.s32 s1, $0x0;
	_ =	strace $0x90000047  }
0x234: {  	s0 =	sadd.s32 @!p0 $0x100000, s0;
	[bflag:$0x2] =	sbarrier.arrive $0xFFFF  }
0x235: {  	[sflag:s0] =	ssyncadd.tile.s32 @!p0 $0x1;
	_ =	shalt  }
.Lfunc_end2:
_tile_overlayer_lowered:
.L_overlay_start_2:
0x236: {  	(tag) =	ssettag $0x2  }
0x237: {  	s0 =	rddreg [dreg:$0x0];
	s2 =	stileid.u32  }
0x238: {  	s1 =	rddreg [dreg:$0x1];
	p0 =	sne.s32 s2, $0x0  }
0x239: {  	s3 =	rddreg [dreg:$0x2];
	[bflag:$0x3] =	sbarrier.arrive $0xFFFF;
	s2 =	simm.s32 @!p0 $0x1C02  }
0x23a: {  	[timem:s3], [sflag:s2] =	dma.local @!p0 [hbm:s0], s1  }
0x23b: {  	s0 =	simm.s32 @!p0 $0x2  }
0x23c: {  	_ =	swait.ge @!p0 [sflag:s0], s1  }
0x23d: {  	s1 =	ssub.s32 @!p0 $0x0, s1;
	[sflag:s0] =	ssyncset.done @!p0 $0x0  }
0x23e: {  	[sflag:s0] =	ssyncadd.s32 @!p0 s1  }
0x23f: {  	[bflag:$0x3] =	sbarrier.arrive $0xFFFF  }
0x240: {  	_ =	shalt  }

</sc_bundles>
